<compile_context>
chip_gen: v7x
topology: tpu7x:2x2x1
jax: 0.10.2.dev20260603
libtpu: 0.0.44.dev20260713+nightly
codegen_flags: <defaults>
</compile_context>

<pallas_src>
import functools
import math

import jax
import jax.numpy as jnp
from jax import lax
from jax.experimental import pallas as pl
from jax.experimental.pallas import tpu as pltpu
from jax.experimental.pallas import tpu_sc as plsc

N = 10000
E = 320000
D = 128
H = 128
O = 64
EPS = 1e-5

NC = 2
NS = 16
NW = NC * NS
EPW = E // NW
CH = 80
NCHUNK = EPW // CH
NP = 10240
RPT = NP // NS
R = 1024


def _sc_mesh():
    return plsc.VectorSubcoreMesh(core_axis_name="c", subcore_axis_name="s",
                                  num_cores=NC, num_subcores=NS)


def _hist_body(dst_hbm, zcol_hbm, ones_hbm, out_hbm, idx_v, ones_v, hist_sh, sem):
    c = lax.axis_index("c")
    s = lax.axis_index("s")
    wid = c * NS + s
    pltpu.sync_copy(ones_hbm, ones_v)
    pltpu.sync_copy(zcol_hbm.at[pl.ds(s * RPT, RPT)],
                    hist_sh.at[pl.ds(s * RPT, RPT)])
    plsc.subcore_barrier()

    def step(j, carry):
        base = pl.multiple_of(wid * EPW + j * CH, 8)
        pltpu.sync_copy(dst_hbm.at[pl.ds(base, CH)], idx_v)
        pltpu.sync_copy(ones_v, hist_sh.at[idx_v], add=True)
        return carry

    lax.fori_loop(0, NCHUNK, step, 0)
    plsc.subcore_barrier()
    pltpu.sync_copy(hist_sh.at[pl.ds(s * RPT, RPT)],
                    out_hbm.at[c, pl.ds(s * RPT, RPT)])


def _hist_call(dst, zcol, ones_col):
    return pl.kernel(
        _hist_body,
        out_type=jax.ShapeDtypeStruct((NC, NP), jnp.float32),
        mesh=_sc_mesh(),
        scratch_types=[
            pltpu.VMEM((CH,), jnp.int32),
            pltpu.VMEM((CH,), jnp.float32),
            pltpu.VMEM_SHARED((NP,), jnp.float32),
            pltpu.SemaphoreType.DMA,
        ],
    )(dst, zcol, ones_col)


CB = 128
KD = 2
NCB = 80
EPT = NCB * CB
EPAD = NW * EPT


def _agg_body(hs_hbm, srcp_hbm, dstp_hbm, z_hbm, out_hbm,
              sb, db, rows_v, acc_sh, semi, semg, sems):
    c = lax.axis_index("c")
    s = lax.axis_index("s")
    wid = c * NS + s
    base = wid * EPT
    pltpu.sync_copy(z_hbm.at[pl.ds(s * RPT, RPT)],
                    acc_sh.at[pl.ds(s * RPT, RPT)])
    plsc.subcore_barrier()

    def step(t, carry):
        j0 = t * KD
        for i in range(KD):
            off = pl.multiple_of(base + (j0 + i) * CB, 8)
            pltpu.sync_copy(srcp_hbm.at[pl.ds(off, CB)], sb[i])
            pltpu.sync_copy(dstp_hbm.at[pl.ds(off, CB)], db[i])
        gs = [pltpu.async_copy(hs_hbm.at[sb[i]], rows_v[i], semg)
              for i in range(KD)]
        ss = []
        for i in range(KD):
            gs[i].wait()
            ss.append(pltpu.async_copy(
                rows_v[i], acc_sh.at[db[i]], sems, add=True))
        for d in ss:
            d.wait()
        return carry

    lax.fori_loop(0, NCB // KD, step, 0)
    plsc.subcore_barrier()
    pltpu.sync_copy(acc_sh.at[pl.ds(s * RPT, RPT)],
                    out_hbm.at[c, pl.ds(s * RPT, RPT)])


def _agg_call(hs, srcp, dstp, zpad, width):
    return pl.kernel(
        _agg_full_body,
        out_type=jax.ShapeDtypeStruct((NC, NP, width), jnp.float32),
        mesh=_sc_mesh(),
        scratch_types=(
            [pltpu.VMEM((CB,), jnp.int32) for _ in range(2 * KD)]
            + [pltpu.VMEM((CB, width), jnp.float32) for _ in range(KD)]
            + [pltpu.VMEM_SHARED((NP, width), jnp.float32),
               pltpu.SemaphoreType.DMA,
               pltpu.SemaphoreType.DMA,
               pltpu.SemaphoreType.DMA]
        ),
    )(hs, srcp, dstp, zpad)


def _agg_full_body(hs_hbm, srcp_hbm, dstp_hbm, z_hbm, out_hbm, *rest):
    sb = rest[0:KD]
    db = rest[KD:2 * KD]
    rows_v = rest[2 * KD:3 * KD]
    acc_sh = rest[3 * KD]
    semi, semg, sems = rest[3 * KD + 1:3 * KD + 4]
    _agg_body(hs_hbm, srcp_hbm, dstp_hbm, z_hbm, out_hbm,
              sb, db, rows_v, acc_sh, semi, semg, sems)


def _layer1_body(x_ref, w_ref, degp_ref, hs_ref, dinv_ref):
    deg_row = degp_ref[0] + degp_ref[1]
    deg = lax.dot_general(deg_row, jnp.ones((1, 1), jnp.float32),
                          (((0,), (0,)), ((), ()))) + 1.0
    dv = lax.rsqrt(deg)
    h = jnp.dot(x_ref[...], w_ref[...], preferred_element_type=jnp.float32)
    hs_ref[...] = h * dv
    dinv_ref[...] = dv


def _layer1_call(x, W1, degp):
    grid = (pl.cdiv(N, R),)
    return pl.pallas_call(
        _layer1_body,
        grid=grid,
        in_specs=[
            pl.BlockSpec((R, D), lambda i: (i, 0)),
            pl.BlockSpec((D, H), lambda i: (0, 0)),
            pl.BlockSpec((NC, 1, R), lambda i: (0, 0, i)),
        ],
        out_specs=[
            pl.BlockSpec((R, H), lambda i: (i, 0)),
            pl.BlockSpec((R, 1), lambda i: (i, 0)),
        ],
        out_shape=[
            jax.ShapeDtypeStruct((N, H), jnp.float32),
            jax.ShapeDtypeStruct((N, 1), jnp.float32),
        ],
    )(x, W1, degp)


_BN_SCALE = 1.0 / math.sqrt(1.0 + EPS)


def _mid_body(p_ref, hsp_ref, dinv_ref, b_ref, g_ref, be_ref, w_ref, out_ref):
    dv = dinv_ref[...]
    agg = p_ref[0] + p_ref[1] + hsp_ref[...]
    o = agg * dv + b_ref[...]
    y = jnp.maximum(o * (g_ref[...] * _BN_SCALE) + be_ref[...], 0.0)
    out_ref[...] = jnp.dot(y, w_ref[...], preferred_element_type=jnp.float32) * dv


def _mid_call(p, hs_prev, dinv, b, g, be, Wn, win, wout):
    grid = (pl.cdiv(N, R),)
    return pl.pallas_call(
        _mid_body,
        grid=grid,
        in_specs=[
            pl.BlockSpec((NC, R, win), lambda i: (0, i, 0)),
            pl.BlockSpec((R, win), lambda i: (i, 0)),
            pl.BlockSpec((R, 1), lambda i: (i, 0)),
            pl.BlockSpec((1, win), lambda i: (0, 0)),
            pl.BlockSpec((1, win), lambda i: (0, 0)),
            pl.BlockSpec((1, win), lambda i: (0, 0)),
            pl.BlockSpec((win, wout), lambda i: (0, 0)),
        ],
        out_specs=pl.BlockSpec((R, wout), lambda i: (i, 0)),
        out_shape=jax.ShapeDtypeStruct((N, wout), jnp.float32),
    )(p, hs_prev, dinv, b.reshape(1, win), g.reshape(1, win),
      be.reshape(1, win), Wn)


def _final_body(p_ref, hsp_ref, dinv_ref, b_ref, out_ref):
    agg = (p_ref[0] + p_ref[1] + hsp_ref[...])[:, :O]
    o = agg * dinv_ref[...] + b_ref[...]
    out_ref[...] = jax.nn.sigmoid(o)


def _final_call(p, hs_prev, dinv, b):
    grid = (pl.cdiv(N, R),)
    return pl.pallas_call(
        _final_body,
        grid=grid,
        in_specs=[
            pl.BlockSpec((NC, R, H), lambda i: (0, i, 0)),
            pl.BlockSpec((R, H), lambda i: (i, 0)),
            pl.BlockSpec((R, 1), lambda i: (i, 0)),
            pl.BlockSpec((1, O), lambda i: (0, 0)),
        ],
        out_specs=pl.BlockSpec((R, O), lambda i: (i, 0)),
        out_shape=jax.ShapeDtypeStruct((N, O), jnp.float32),
    )(p, hs_prev, dinv, b.reshape(1, O))


def kernel(x, edge_index, W1, b1, g1, be1, W2, b2, g2, be2, W3, b3):
    src = edge_index[0].astype(jnp.int32)
    dst = edge_index[1].astype(jnp.int32)
    pad_src = jnp.arange(EPAD - E, dtype=jnp.int32) % N
    srcp = jnp.concatenate([src, pad_src])
    pad_dst = N + (jnp.arange(EPAD - E, dtype=jnp.int32) % (NP - N))
    dstp = jnp.concatenate([dst, pad_dst])

    zcol = jnp.zeros((NP,), jnp.float32)
    ones_col = jnp.ones((CH,), jnp.float32)
    z_h = jnp.zeros((NP, H), jnp.float32)
    W3p = jnp.concatenate([W3, jnp.zeros((H, H - O), jnp.float32)], axis=1)

    degp = _hist_call(dst, zcol, ones_col)
    hs1, dinv = _layer1_call(x, W1, degp.reshape(NC, 1, NP))

    p1 = _agg_call(hs1, srcp, dstp, z_h, H)
    hs2 = _mid_call(p1, hs1, dinv, b1, g1, be1, W2, H, H)

    p2 = _agg_call(hs2, srcp, dstp, z_h, H)
    hs3 = _mid_call(p2, hs2, dinv, b2, g2, be2, W3p, H, H)

    p3 = _agg_call(hs3, srcp, dstp, z_h, H)
    return _final_call(p3, hs3, dinv, b3)

# --- scband reference (transcript-rebuilt; emitter-appended) ---
"""Pipeline reference for scband-gcnclassifier-78786880077898 (READ-ONLY COPY).

The authoritative reference and input builder live on the scoring server;
editing this copy changes nothing except your own understanding.
"""

import jax, jax.numpy as jnp
import numpy as np

N = 10000
E = 320000
D = 128
H = 128
O = 64
EPS = 1e-5


def setup_inputs(seed: int = 0) -> dict:
    key = jax.random.key(seed)
    ks = jax.random.split(key, 14)
    x = jax.random.normal(ks[0], (N, D), dtype=jnp.float32)
    edge_index = jax.random.randint(ks[1], (2, E), 0, N)
    sc = 1.0 / np.sqrt(D)
    W1 = jax.random.uniform(ks[2], (D, H), jnp.float32, -sc, sc)
    b1 = jax.random.uniform(ks[3], (H,), jnp.float32, -sc, sc)
    g1 = jnp.ones((H,), jnp.float32)
    be1 = jnp.zeros((H,), jnp.float32)
    sch = 1.0 / np.sqrt(H)
    W2 = jax.random.uniform(ks[4], (H, H), jnp.float32, -sch, sch)
    b2 = jax.random.uniform(ks[5], (H,), jnp.float32, -sch, sch)
    g2 = jnp.ones((H,), jnp.float32)
    be2 = jnp.zeros((H,), jnp.float32)
    W3 = jax.random.uniform(ks[6], (H, O), jnp.float32, -sch, sch)
    b3 = jax.random.uniform(ks[7], (O,), jnp.float32, -sch, sch)
    return {"x": x, "edge_index": edge_index, "W1": W1, "b1": b1, "g1": g1, "be1": be1,
            "W2": W2, "b2": b2, "g2": g2, "be2": be2, "W3": W3, "b3": b3}


def gcn_conv(x, edge_index, W, b):
    # GCNConv: linear transform, add self-loops, symmetric normalization, scatter-add aggregate
    h = x @ W
    sl = jnp.arange(N)
    src = jnp.concatenate([edge_index[0], sl])
    dst = jnp.concatenate([edge_index[1], sl])
    ones = jnp.ones(src.shape[0], dtype=h.dtype)
    deg = jnp.zeros(N, dtype=h.dtype).at[dst].add(ones)
    dinv = jnp.where(deg > 0, deg ** -0.5, 0.0)
    norm = dinv[src] * dinv[dst]
    msgs = h[src] * norm[:, None]
    out = jnp.zeros((N, h.shape[1]), dtype=h.dtype).at[dst].add(msgs)
    return out + b


def batchnorm_eval(x, gamma, beta):
    # BatchNorm1d in eval mode with running_mean=0, running_var=1
    return x / jnp.sqrt(1.0 + EPS) * gamma + beta


def reference(x, edge_index, W1, b1, g1, be1, W2, b2, g2, be2, W3, b3):
    h = gcn_conv(x, edge_index, W1, b1)
    h = batchnorm_eval(h, g1, be1)
    h = jax.nn.relu(h)
    # dropout is identity in eval mode
    h = gcn_conv(h, edge_index, W2, b2)
    h = batchnorm_eval(h, g2, be2)
    h = jax.nn.relu(h)
    h = gcn_conv(h, edge_index, W3, b3)
    return jax.nn.sigmoid(h)

if __name__ == "__main__":
    import jax
    _d = setup_inputs()
    print(jax.jit(kernel)(*tuple(_d.values())))

</pallas_src>

<mosaic_0001>
#map = affine_map<(d0, d1) -> (0, 0)>
#map1 = affine_map<(d0, d1) -> (0)>
#map2 = affine_map<(d0, d1) -> (0, 0, 0)>
module attributes {stable_mosaic.version = 14 : i64} {
  func.func @_agg_full_body(%arg0: i32, %arg1: i32, %arg2: memref<10000x128xf32, #tpu.memory_space<hbm>>, %arg3: memref<327680xi32, #tpu.memory_space<hbm>>, %arg4: memref<327680xi32, #tpu.memory_space<hbm>>, %arg5: memref<10240x128xf32, #tpu.memory_space<hbm>>, %arg6: memref<2x10240x128xf32, #tpu.memory_space<hbm>>, %arg7: memref<128xi32, #tpu.memory_space<vmem>>, %arg8: memref<128xi32, #tpu.memory_space<vmem>>, %arg9: memref<128xi32, #tpu.memory_space<vmem>>, %arg10: memref<128xi32, #tpu.memory_space<vmem>>, %arg11: memref<128x128xf32, #tpu.memory_space<vmem>>, %arg12: memref<128x128xf32, #tpu.memory_space<vmem>>, %arg13: memref<10240x128xf32, #tpu.memory_space<vmem_shared>>, %arg14: memref<!tpu.dma_semaphore, #tpu.memory_space<semaphore_mem>>, %arg15: memref<!tpu.dma_semaphore, #tpu.memory_space<semaphore_mem>>, %arg16: memref<!tpu.dma_semaphore, #tpu.memory_space<semaphore_mem>>) attributes {dimension_semantics = [#tpu.dimension_semantics<core_parallel>, #tpu.dimension_semantics<subcore_parallel>], iteration_bounds = array<i64: 2, 16>, scalar_prefetch = 0 : i64, scratch_operands = 10 : i64, tpu.core_type = #tpu.core_type<sc_vector_subcore>, window_params = [{transform_indices = #map}, {transform_indices = #map1}, {transform_indices = #map1}, {transform_indices = #map}, {transform_indices = #map2}]} {
    %mul3A = arith.constant 16 : i32
    %mul3A_0 = arith.muli %arg0, %mul3A : i32
    %add3A = arith.addi %mul3A_0, %arg1 : i32
    %mul3A_1 = arith.constant 10240 : i32
    %mul3A_2 = arith.muli %add3A, %mul3A_1 : i32
    %mul3A_3 = arith.constant 640 : i32
    %mul3A_4 = arith.muli %arg1, %mul3A_3 : i32
    %mul3A_5 = arith.constant 640 : i32
    %mul3A_6 = arith.muli %arg1, %mul3A_5 : i32
    "tpu.region"() ({
      %run_scoped3A = tpu.sem_alloc : memref<!tpu.dma_semaphore, #tpu.memory_space<semaphore_mem>>
      %dma_start3A = arith.constant 0 : i32
      %dma_start3A_17 = tpu.memref_slice %arg13[%mul3A_6, %dma_start3A] : memref<10240x128xf32, #tpu.memory_space<vmem_shared>> -> memref<640x128xf32, #tpu.memory_space<vmem_shared>>
      %dma_start3A_18 = arith.constant 0 : i32
      %dma_start3A_19 = tpu.memref_slice %arg5[%mul3A_4, %dma_start3A_18] : memref<10240x128xf32, #tpu.memory_space<hbm>> -> memref<640x128xf32, #tpu.memory_space<hbm>>
      tpu.enqueue_dma source(%dma_start3A_19 : memref<640x128xf32, #tpu.memory_space<hbm>>) target(%dma_start3A_17 : memref<640x128xf32, #tpu.memory_space<vmem_shared>>) target_semaphore(%run_scoped3A : memref<!tpu.dma_semaphore, #tpu.memory_space<semaphore_mem>>)
      %dma_wait3A = arith.constant 0 : i32
      %dma_wait3A_20 = tpu.memref_slice %arg13[%mul3A_6, %dma_wait3A] : memref<10240x128xf32, #tpu.memory_space<vmem_shared>> -> memref<640x128xf32, #tpu.memory_space<vmem_shared>>
      %dma_wait3A_21 = arith.constant 0 : i32
      %dma_wait3A_22 = tpu.memref_slice %arg5[%mul3A_4, %dma_wait3A_21] : memref<10240x128xf32, #tpu.memory_space<hbm>> -> memref<640x128xf32, #tpu.memory_space<hbm>>
      tpu.wait_dma2 semaphore(%run_scoped3A : memref<!tpu.dma_semaphore, #tpu.memory_space<semaphore_mem>>) src(%dma_wait3A_22 : memref<640x128xf32, #tpu.memory_space<hbm>>) dst(%dma_wait3A_20 : memref<640x128xf32, #tpu.memory_space<vmem_shared>>)
      tpu.yield
    }) : () -> ()
    %barrier3A = arith.constant 0 : index
    tpu.barrier barrier_id(%barrier3A)
    %scan3A = arith.constant 0 : i32
    %scan3A_7 = arith.constant 0 : i32
    %scan3A_8 = arith.constant 40 : i32
    %scan3A_9 = arith.addi %scan3A_7, %scan3A_8 : i32
    %scan3A_10 = arith.constant 1 : i32
    scf.for %scan3A_17 = %scan3A_7 to %scan3A_9 step %scan3A_10  : i32 {
      %mul3A_18 = arith.constant 2 : i32
      %mul3A_19 = arith.muli %scan3A_17, %mul3A_18 : i32
      %add3A_20 = arith.constant 0 : i32
      %add3A_21 = arith.addi %mul3A_19, %add3A_20 : i32
      %mul3A_22 = arith.constant 128 : i32
      %mul3A_23 = arith.muli %add3A_21, %mul3A_22 : i32
      %add3A_24 = arith.addi %mul3A_2, %mul3A_23 : i32
      %multiple_of3A = tpu.assume_multiple %add3A_24, 8 : i32
      "tpu.region"() ({
        %run_scoped3A = tpu.sem_alloc : memref<!tpu.dma_semaphore, #tpu.memory_space<semaphore_mem>>
        %dma_start3A_53 = tpu.memref_slice %arg3[%multiple_of3A] : memref<327680xi32, #tpu.memory_space<hbm>> -> memref<128xi32, #tpu.memory_space<hbm>>
        %dma_start3A_54 = tpu.memref_slice %arg3[%multiple_of3A] : memref<327680xi32, #tpu.memory_space<hbm>> -> memref<128xi32, #tpu.memory_space<hbm>>
        tpu.enqueue_dma source(%dma_start3A_54 : memref<128xi32, #tpu.memory_space<hbm>>) target(%arg7 : memref<128xi32, #tpu.memory_space<vmem>>) target_semaphore(%run_scoped3A : memref<!tpu.dma_semaphore, #tpu.memory_space<semaphore_mem>>)
        %dma_wait3A_55 = tpu.memref_slice %arg3[%multiple_of3A] : memref<327680xi32, #tpu.memory_space<hbm>> -> memref<128xi32, #tpu.memory_space<hbm>>
        %dma_wait3A_56 = tpu.memref_slice %arg3[%multiple_of3A] : memref<327680xi32, #tpu.memory_space<hbm>> -> memref<128xi32, #tpu.memory_space<hbm>>
        tpu.wait_dma2 semaphore(%run_scoped3A : memref<!tpu.dma_semaphore, #tpu.memory_space<semaphore_mem>>) src(%dma_wait3A_56 : memref<128xi32, #tpu.memory_space<hbm>>) dst(%arg7 : memref<128xi32, #tpu.memory_space<vmem>>)
        tpu.yield
      }) : () -> ()
      "tpu.region"() ({
        %run_scoped3A = tpu.sem_alloc : memref<!tpu.dma_semaphore, #tpu.memory_space<semaphore_mem>>
        %dma_start3A_53 = tpu.memref_slice %arg4[%multiple_of3A] : memref<327680xi32, #tpu.memory_space<hbm>> -> memref<128xi32, #tpu.memory_space<hbm>>
        %dma_start3A_54 = tpu.memref_slice %arg4[%multiple_of3A] : memref<327680xi32, #tpu.memory_space<hbm>> -> memref<128xi32, #tpu.memory_space<hbm>>
        tpu.enqueue_dma source(%dma_start3A_54 : memref<128xi32, #tpu.memory_space<hbm>>) target(%arg9 : memref<128xi32, #tpu.memory_space<vmem>>) target_semaphore(%run_scoped3A : memref<!tpu.dma_semaphore, #tpu.memory_space<semaphore_mem>>)
        %dma_wait3A_55 = tpu.memref_slice %arg4[%multiple_of3A] : memref<327680xi32, #tpu.memory_space<hbm>> -> memref<128xi32, #tpu.memory_space<hbm>>
        %dma_wait3A_56 = tpu.memref_slice %arg4[%multiple_of3A] : memref<327680xi32, #tpu.memory_space<hbm>> -> memref<128xi32, #tpu.memory_space<hbm>>
        tpu.wait_dma2 semaphore(%run_scoped3A : memref<!tpu.dma_semaphore, #tpu.memory_space<semaphore_mem>>) src(%dma_wait3A_56 : memref<128xi32, #tpu.memory_space<hbm>>) dst(%arg9 : memref<128xi32, #tpu.memory_space<vmem>>)
        tpu.yield
      }) : () -> ()
      %add3A_25 = arith.constant 1 : i32
      %add3A_26 = arith.addi %mul3A_19, %add3A_25 : i32
      %mul3A_27 = arith.constant 128 : i32
      %mul3A_28 = arith.muli %add3A_26, %mul3A_27 : i32
      %add3A_29 = arith.addi %mul3A_2, %mul3A_28 : i32
      %multiple_of3A_30 = tpu.assume_multiple %add3A_29, 8 : i32
      "tpu.region"() ({
        %run_scoped3A = tpu.sem_alloc : memref<!tpu.dma_semaphore, #tpu.memory_space<semaphore_mem>>
        %dma_start3A_53 = tpu.memref_slice %arg3[%multiple_of3A_30] : memref<327680xi32, #tpu.memory_space<hbm>> -> memref<128xi32, #tpu.memory_space<hbm>>
        %dma_start3A_54 = tpu.memref_slice %arg3[%multiple_of3A_30] : memref<327680xi32, #tpu.memory_space<hbm>> -> memref<128xi32, #tpu.memory_space<hbm>>
        tpu.enqueue_dma source(%dma_start3A_54 : memref<128xi32, #tpu.memory_space<hbm>>) target(%arg8 : memref<128xi32, #tpu.memory_space<vmem>>) target_semaphore(%run_scoped3A : memref<!tpu.dma_semaphore, #tpu.memory_space<semaphore_mem>>)
        %dma_wait3A_55 = tpu.memref_slice %arg3[%multiple_of3A_30] : memref<327680xi32, #tpu.memory_space<hbm>> -> memref<128xi32, #tpu.memory_space<hbm>>
        %dma_wait3A_56 = tpu.memref_slice %arg3[%multiple_of3A_30] : memref<327680xi32, #tpu.memory_space<hbm>> -> memref<128xi32, #tpu.memory_space<hbm>>
        tpu.wait_dma2 semaphore(%run_scoped3A : memref<!tpu.dma_semaphore, #tpu.memory_space<semaphore_mem>>) src(%dma_wait3A_56 : memref<128xi32, #tpu.memory_space<hbm>>) dst(%arg8 : memref<128xi32, #tpu.memory_space<vmem>>)
        tpu.yield
      }) : () -> ()
      "tpu.region"() ({
        %run_scoped3A = tpu.sem_alloc : memref<!tpu.dma_semaphore, #tpu.memory_space<semaphore_mem>>
        %dma_start3A_53 = tpu.memref_slice %arg4[%multiple_of3A_30] : memref<327680xi32, #tpu.memory_space<hbm>> -> memref<128xi32, #tpu.memory_space<hbm>>
        %dma_start3A_54 = tpu.memref_slice %arg4[%multiple_of3A_30] : memref<327680xi32, #tpu.memory_space<hbm>> -> memref<128xi32, #tpu.memory_space<hbm>>
        tpu.enqueue_dma source(%dma_start3A_54 : memref<128xi32, #tpu.memory_space<hbm>>) target(%arg10 : memref<128xi32, #tpu.memory_space<vmem>>) target_semaphore(%run_scoped3A : memref<!tpu.dma_semaphore, #tpu.memory_space<semaphore_mem>>)
        %dma_wait3A_55 = tpu.memref_slice %arg4[%multiple_of3A_30] : memref<327680xi32, #tpu.memory_space<hbm>> -> memref<128xi32, #tpu.memory_space<hbm>>
        %dma_wait3A_56 = tpu.memref_slice %arg4[%multiple_of3A_30] : memref<327680xi32, #tpu.memory_space<hbm>> -> memref<128xi32, #tpu.memory_space<hbm>>
        tpu.wait_dma2 semaphore(%run_scoped3A : memref<!tpu.dma_semaphore, #tpu.memory_space<semaphore_mem>>) src(%dma_wait3A_56 : memref<128xi32, #tpu.memory_space<hbm>>) dst(%arg10 : memref<128xi32, #tpu.memory_space<vmem>>)
        tpu.yield
      }) : () -> ()
      %dma_start3A = arith.constant 0 : i32
      %dma_start3A_31 = arith.constant 0 : i32
      %dma_start3A_32 = tpu.memref_slice %arg2[%dma_start3A, %dma_start3A_31] : memref<10000x128xf32, #tpu.memory_space<hbm>> -> memref<10000x128xf32, #tpu.memory_space<hbm>>
      tpu.enqueue_indirect_dma source(%dma_start3A_32 : memref<10000x128xf32, #tpu.memory_space<hbm>>) target(%arg11 : memref<128x128xf32, #tpu.memory_space<vmem>>) offsets(%arg7 : memref<128xi32, #tpu.memory_space<vmem>>) semaphore(%arg15 : memref<!tpu.dma_semaphore, #tpu.memory_space<semaphore_mem>>)
      %dma_start3A_33 = arith.constant 0 : i32
      %dma_start3A_34 = arith.constant 0 : i32
      %dma_start3A_35 = tpu.memref_slice %arg2[%dma_start3A_33, %dma_start3A_34] : memref<10000x128xf32, #tpu.memory_space<hbm>> -> memref<10000x128xf32, #tpu.memory_space<hbm>>
      tpu.enqueue_indirect_dma source(%dma_start3A_35 : memref<10000x128xf32, #tpu.memory_space<hbm>>) target(%arg12 : memref<128x128xf32, #tpu.memory_space<vmem>>) offsets(%arg8 : memref<128xi32, #tpu.memory_space<vmem>>) semaphore(%arg15 : memref<!tpu.dma_semaphore, #tpu.memory_space<semaphore_mem>>)
      %dma_wait3A = arith.constant 0 : i32
      %dma_wait3A_36 = arith.constant 0 : i32
      %dma_wait3A_37 = tpu.memref_slice %arg2[%dma_wait3A, %dma_wait3A_36] : memref<10000x128xf32, #tpu.memory_space<hbm>> -> memref<10000x128xf32, #tpu.memory_space<hbm>>
      tpu.wait_indirect_dma semaphore(%arg15 : memref<!tpu.dma_semaphore, #tpu.memory_space<semaphore_mem>>) src(%dma_wait3A_37 : memref<10000x128xf32, #tpu.memory_space<hbm>>) dst(%arg11 : memref<128x128xf32, #tpu.memory_space<vmem>>)
      %dma_start3A_38 = arith.constant 0 : i32
      %dma_start3A_39 = arith.constant 0 : i32
      %dma_start3A_40 = tpu.memref_slice %arg13[%dma_start3A_38, %dma_start3A_39] : memref<10240x128xf32, #tpu.memory_space<vmem_shared>> -> memref<10240x128xf32, #tpu.memory_space<vmem_shared>>
      tpu.enqueue_indirect_dma source(%arg11 : memref<128x128xf32, #tpu.memory_space<vmem>>) target(%dma_start3A_40 : memref<10240x128xf32, #tpu.memory_space<vmem_shared>>) offsets(%arg9 : memref<128xi32, #tpu.memory_space<vmem>>) semaphore(%arg16 : memref<!tpu.dma_semaphore, #tpu.memory_space<semaphore_mem>>) {add = true}
      %dma_wait3A_41 = arith.constant 0 : i32
      %dma_wait3A_42 = arith.constant 0 : i32
      %dma_wait3A_43 = tpu.memref_slice %arg2[%dma_wait3A_41, %dma_wait3A_42] : memref<10000x128xf32, #tpu.memory_space<hbm>> -> memref<10000x128xf32, #tpu.memory_space<hbm>>
      tpu.wait_indirect_dma semaphore(%arg15 : memref<!tpu.dma_semaphore, #tpu.memory_space<semaphore_mem>>) src(%dma_wait3A_43 : memref<10000x128xf32, #tpu.memory_space<hbm>>) dst(%arg12 : memref<128x128xf32, #tpu.memory_space<vmem>>)
      %dma_start3A_44 = arith.constant 0 : i32
      %dma_start3A_45 = arith.constant 0 : i32
      %dma_start3A_46 = tpu.memref_slice %arg13[%dma_start3A_44, %dma_start3A_45] : memref<10240x128xf32, #tpu.memory_space<vmem_shared>> -> memref<10240x128xf32, #tpu.memory_space<vmem_shared>>
      tpu.enqueue_indirect_dma source(%arg12 : memref<128x128xf32, #tpu.memory_space<vmem>>) target(%dma_start3A_46 : memref<10240x128xf32, #tpu.memory_space<vmem_shared>>) offsets(%arg10 : memref<128xi32, #tpu.memory_space<vmem>>) semaphore(%arg16 : memref<!tpu.dma_semaphore, #tpu.memory_space<semaphore_mem>>) {add = true}
      %dma_wait3A_47 = arith.constant 0 : i32
      %dma_wait3A_48 = arith.constant 0 : i32
      %dma_wait3A_49 = tpu.memref_slice %arg13[%dma_wait3A_47, %dma_wait3A_48] : memref<10240x128xf32, #tpu.memory_space<vmem_shared>> -> memref<10240x128xf32, #tpu.memory_space<vmem_shared>>
      tpu.wait_indirect_dma semaphore(%arg16 : memref<!tpu.dma_semaphore, #tpu.memory_space<semaphore_mem>>) src(%arg11 : memref<128x128xf32, #tpu.memory_space<vmem>>) dst(%dma_wait3A_49 : memref<10240x128xf32, #tpu.memory_space<vmem_shared>>)
      %dma_wait3A_50 = arith.constant 0 : i32
      %dma_wait3A_51 = arith.constant 0 : i32
      %dma_wait3A_52 = tpu.memref_slice %arg13[%dma_wait3A_50, %dma_wait3A_51] : memref<10240x128xf32, #tpu.memory_space<vmem_shared>> -> memref<10240x128xf32, #tpu.memory_space<vmem_shared>>
      tpu.wait_indirect_dma semaphore(%arg16 : memref<!tpu.dma_semaphore, #tpu.memory_space<semaphore_mem>>) src(%arg12 : memref<128x128xf32, #tpu.memory_space<vmem>>) dst(%dma_wait3A_52 : memref<10240x128xf32, #tpu.memory_space<vmem_shared>>)
    }
    %scan3A_11 = arith.constant 40 : i32
    %barrier3A_12 = arith.constant 0 : index
    tpu.barrier barrier_id(%barrier3A_12)
    %mul3A_13 = arith.constant 640 : i32
    %mul3A_14 = arith.muli %arg1, %mul3A_13 : i32
    %mul3A_15 = arith.constant 640 : i32
    %mul3A_16 = arith.muli %arg1, %mul3A_15 : i32
    "tpu.region"() ({
      %run_scoped3A = tpu.sem_alloc : memref<!tpu.dma_semaphore, #tpu.memory_space<semaphore_mem>>
      %dma_start3A = arith.constant 0 : i32
      %dma_start3A_17 = tpu.memref_slice %arg6[%arg0, %mul3A_16, %dma_start3A] : memref<2x10240x128xf32, #tpu.memory_space<hbm>> -> memref<1x640x128xf32, #tpu.memory_space<hbm>>
      %dma_start3A_18 = tpu.memref_squeeze %dma_start3A_17 : memref<1x640x128xf32, #tpu.memory_space<hbm>> -> memref<640x128xf32, #tpu.memory_space<hbm>>
      %dma_start3A_19 = arith.constant 0 : i32
      %dma_start3A_20 = tpu.memref_slice %arg13[%mul3A_14, %dma_start3A_19] : memref<10240x128xf32, #tpu.memory_space<vmem_shared>> -> memref<640x128xf32, #tpu.memory_space<vmem_shared>>
      tpu.enqueue_dma source(%dma_start3A_20 : memref<640x128xf32, #tpu.memory_space<vmem_shared>>) target(%dma_start3A_18 : memref<640x128xf32, #tpu.memory_space<hbm>>) target_semaphore(%run_scoped3A : memref<!tpu.dma_semaphore, #tpu.memory_space<semaphore_mem>>)
      %dma_wait3A = arith.constant 0 : i32
      %dma_wait3A_21 = tpu.memref_slice %arg6[%arg0, %mul3A_16, %dma_wait3A] : memref<2x10240x128xf32, #tpu.memory_space<hbm>> -> memref<1x640x128xf32, #tpu.memory_space<hbm>>
      %dma_wait3A_22 = tpu.memref_squeeze %dma_wait3A_21 : memref<1x640x128xf32, #tpu.memory_space<hbm>> -> memref<640x128xf32, #tpu.memory_space<hbm>>
      %dma_wait3A_23 = arith.constant 0 : i32
      %dma_wait3A_24 = tpu.memref_slice %arg13[%mul3A_14, %dma_wait3A_23] : memref<10240x128xf32, #tpu.memory_space<vmem_shared>> -> memref<640x128xf32, #tpu.memory_space<vmem_shared>>
      tpu.wait_dma2 semaphore(%run_scoped3A : memref<!tpu.dma_semaphore, #tpu.memory_space<semaphore_mem>>) src(%dma_wait3A_24 : memref<640x128xf32, #tpu.memory_space<vmem_shared>>) dst(%dma_wait3A_22 : memref<640x128xf32, #tpu.memory_space<hbm>>)
      tpu.yield
    }) : () -> ()
    return
  }
}

#map = affine_map<(d0, d1) -> (0, 0)>
#map1 = affine_map<(d0, d1) -> (0)>
#map2 = affine_map<(d0, d1) -> (0, 0, 0)>
module attributes {stable_mosaic.version = 14 : i64} {
  func.func @_agg_full_body(%arg0: i32, %arg1: i32, %arg2: memref<10000x128xf32, #tpu.memory_space<hbm>>, %arg3: memref<327680xi32, #tpu.memory_space<hbm>>, %arg4: memref<327680xi32, #tpu.memory_space<hbm>>, %arg5: memref<10240x128xf32, #tpu.memory_space<hbm>>, %arg6: memref<2x10240x128xf32, #tpu.memory_space<hbm>>, %arg7: memref<128xi32, #tpu.memory_space<vmem>>, %arg8: memref<128xi32, #tpu.memory_space<vmem>>, %arg9: memref<128xi32, #tpu.memory_space<vmem>>, %arg10: memref<128xi32, #tpu.memory_space<vmem>>, %arg11: memref<128x128xf32, #tpu.memory_space<vmem>>, %arg12: memref<128x128xf32, #tpu.memory_space<vmem>>, %arg13: memref<10240x128xf32, #tpu.memory_space<vmem_shared>>, %arg14: memref<!tpu.dma_semaphore, #tpu.memory_space<semaphore_mem>>, %arg15: memref<!tpu.dma_semaphore, #tpu.memory_space<semaphore_mem>>, %arg16: memref<!tpu.dma_semaphore, #tpu.memory_space<semaphore_mem>>) attributes {dimension_semantics = [#tpu.dimension_semantics<core_parallel>, #tpu.dimension_semantics<subcore_parallel>], iteration_bounds = array<i64: 2, 16>, scalar_prefetch = 0 : i64, scratch_operands = 10 : i64, tpu.core_type = #tpu.core_type<sc_vector_subcore>, window_params = [{transform_indices = #map}, {transform_indices = #map1}, {transform_indices = #map1}, {transform_indices = #map}, {transform_indices = #map2}]} {
    %mul3A = arith.constant 16 : i32
    %mul3A_0 = arith.muli %arg0, %mul3A : i32
    %add3A = arith.addi %mul3A_0, %arg1 : i32
    %mul3A_1 = arith.constant 10240 : i32
    %mul3A_2 = arith.muli %add3A, %mul3A_1 : i32
    %mul3A_3 = arith.constant 640 : i32
    %mul3A_4 = arith.muli %arg1, %mul3A_3 : i32
    %mul3A_5 = arith.constant 640 : i32
    %mul3A_6 = arith.muli %arg1, %mul3A_5 : i32
    "tpu.region"() ({
      %run_scoped3A = tpu.sem_alloc : memref<!tpu.dma_semaphore, #tpu.memory_space<semaphore_mem>>
      %dma_start3A = arith.constant 0 : i32
      %dma_start3A_17 = tpu.memref_slice %arg13[%mul3A_6, %dma_start3A] : memref<10240x128xf32, #tpu.memory_space<vmem_shared>> -> memref<640x128xf32, #tpu.memory_space<vmem_shared>>
      %dma_start3A_18 = arith.constant 0 : i32
      %dma_start3A_19 = tpu.memref_slice %arg5[%mul3A_4, %dma_start3A_18] : memref<10240x128xf32, #tpu.memory_space<hbm>> -> memref<640x128xf32, #tpu.memory_space<hbm>>
      tpu.enqueue_dma source(%dma_start3A_19 : memref<640x128xf32, #tpu.memory_space<hbm>>) target(%dma_start3A_17 : memref<640x128xf32, #tpu.memory_space<vmem_shared>>) target_semaphore(%run_scoped3A : memref<!tpu.dma_semaphore, #tpu.memory_space<semaphore_mem>>)
      %dma_wait3A = arith.constant 0 : i32
      %dma_wait3A_20 = tpu.memref_slice %arg13[%mul3A_6, %dma_wait3A] : memref<10240x128xf32, #tpu.memory_space<vmem_shared>> -> memref<640x128xf32, #tpu.memory_space<vmem_shared>>
      %dma_wait3A_21 = arith.constant 0 : i32
      %dma_wait3A_22 = tpu.memref_slice %arg5[%mul3A_4, %dma_wait3A_21] : memref<10240x128xf32, #tpu.memory_space<hbm>> -> memref<640x128xf32, #tpu.memory_space<hbm>>
      tpu.wait_dma2 semaphore(%run_scoped3A : memref<!tpu.dma_semaphore, #tpu.memory_space<semaphore_mem>>) src(%dma_wait3A_22 : memref<640x128xf32, #tpu.memory_space<hbm>>) dst(%dma_wait3A_20 : memref<640x128xf32, #tpu.memory_space<vmem_shared>>)
      tpu.yield
    }) : () -> ()
    %barrier3A = arith.constant 0 : index
    tpu.barrier barrier_id(%barrier3A)
    %scan3A = arith.constant 0 : i32
    %scan3A_7 = arith.constant 0 : i32
    %scan3A_8 = arith.constant 40 : i32
    %scan3A_9 = arith.addi %scan3A_7, %scan3A_8 : i32
    %scan3A_10 = arith.constant 1 : i32
    scf.for %scan3A_17 = %scan3A_7 to %scan3A_9 step %scan3A_10  : i32 {
      %mul3A_18 = arith.constant 2 : i32
      %mul3A_19 = arith.muli %scan3A_17, %mul3A_18 : i32
      %add3A_20 = arith.constant 0 : i32
      %add3A_21 = arith.addi %mul3A_19, %add3A_20 : i32
      %mul3A_22 = arith.constant 128 : i32
      %mul3A_23 = arith.muli %add3A_21, %mul3A_22 : i32
      %add3A_24 = arith.addi %mul3A_2, %mul3A_23 : i32
      %multiple_of3A = tpu.assume_multiple %add3A_24, 8 : i32
      "tpu.region"() ({
        %run_scoped3A = tpu.sem_alloc : memref<!tpu.dma_semaphore, #tpu.memory_space<semaphore_mem>>
        %dma_start3A_53 = tpu.memref_slice %arg3[%multiple_of3A] : memref<327680xi32, #tpu.memory_space<hbm>> -> memref<128xi32, #tpu.memory_space<hbm>>
        %dma_start3A_54 = tpu.memref_slice %arg3[%multiple_of3A] : memref<327680xi32, #tpu.memory_space<hbm>> -> memref<128xi32, #tpu.memory_space<hbm>>
        tpu.enqueue_dma source(%dma_start3A_54 : memref<128xi32, #tpu.memory_space<hbm>>) target(%arg7 : memref<128xi32, #tpu.memory_space<vmem>>) target_semaphore(%run_scoped3A : memref<!tpu.dma_semaphore, #tpu.memory_space<semaphore_mem>>)
        %dma_wait3A_55 = tpu.memref_slice %arg3[%multiple_of3A] : memref<327680xi32, #tpu.memory_space<hbm>> -> memref<128xi32, #tpu.memory_space<hbm>>
        %dma_wait3A_56 = tpu.memref_slice %arg3[%multiple_of3A] : memref<327680xi32, #tpu.memory_space<hbm>> -> memref<128xi32, #tpu.memory_space<hbm>>
        tpu.wait_dma2 semaphore(%run_scoped3A : memref<!tpu.dma_semaphore, #tpu.memory_space<semaphore_mem>>) src(%dma_wait3A_56 : memref<128xi32, #tpu.memory_space<hbm>>) dst(%arg7 : memref<128xi32, #tpu.memory_space<vmem>>)
        tpu.yield
      }) : () -> ()
      "tpu.region"() ({
        %run_scoped3A = tpu.sem_alloc : memref<!tpu.dma_semaphore, #tpu.memory_space<semaphore_mem>>
        %dma_start3A_53 = tpu.memref_slice %arg4[%multiple_of3A] : memref<327680xi32, #tpu.memory_space<hbm>> -> memref<128xi32, #tpu.memory_space<hbm>>
        %dma_start3A_54 = tpu.memref_slice %arg4[%multiple_of3A] : memref<327680xi32, #tpu.memory_space<hbm>> -> memref<128xi32, #tpu.memory_space<hbm>>
        tpu.enqueue_dma source(%dma_start3A_54 : memref<128xi32, #tpu.memory_space<hbm>>) target(%arg9 : memref<128xi32, #tpu.memory_space<vmem>>) target_semaphore(%run_scoped3A : memref<!tpu.dma_semaphore, #tpu.memory_space<semaphore_mem>>)
        %dma_wait3A_55 = tpu.memref_slice %arg4[%multiple_of3A] : memref<327680xi32, #tpu.memory_space<hbm>> -> memref<128xi32, #tpu.memory_space<hbm>>
        %dma_wait3A_56 = tpu.memref_slice %arg4[%multiple_of3A] : memref<327680xi32, #tpu.memory_space<hbm>> -> memref<128xi32, #tpu.memory_space<hbm>>
        tpu.wait_dma2 semaphore(%run_scoped3A : memref<!tpu.dma_semaphore, #tpu.memory_space<semaphore_mem>>) src(%dma_wait3A_56 : memref<128xi32, #tpu.memory_space<hbm>>) dst(%arg9 : memref<128xi32, #tpu.memory_space<vmem>>)
        tpu.yield
      }) : () -> ()
      %add3A_25 = arith.constant 1 : i32
      %add3A_26 = arith.addi %mul3A_19, %add3A_25 : i32
      %mul3A_27 = arith.constant 128 : i32
      %mul3A_28 = arith.muli %add3A_26, %mul3A_27 : i32
      %add3A_29 = arith.addi %mul3A_2, %mul3A_28 : i32
      %multiple_of3A_30 = tpu.assume_multiple %add3A_29, 8 : i32
      "tpu.region"() ({
        %run_scoped3A = tpu.sem_alloc : memref<!tpu.dma_semaphore, #tpu.memory_space<semaphore_mem>>
        %dma_start3A_53 = tpu.memref_slice %arg3[%multiple_of3A_30] : memref<327680xi32, #tpu.memory_space<hbm>> -> memref<128xi32, #tpu.memory_space<hbm>>
        %dma_start3A_54 = tpu.memref_slice %arg3[%multiple_of3A_30] : memref<327680xi32, #tpu.memory_space<hbm>> -> memref<128xi32, #tpu.memory_space<hbm>>
        tpu.enqueue_dma source(%dma_start3A_54 : memref<128xi32, #tpu.memory_space<hbm>>) target(%arg8 : memref<128xi32, #tpu.memory_space<vmem>>) target_semaphore(%run_scoped3A : memref<!tpu.dma_semaphore, #tpu.memory_space<semaphore_mem>>)
        %dma_wait3A_55 = tpu.memref_slice %arg3[%multiple_of3A_30] : memref<327680xi32, #tpu.memory_space<hbm>> -> memref<128xi32, #tpu.memory_space<hbm>>
        %dma_wait3A_56 = tpu.memref_slice %arg3[%multiple_of3A_30] : memref<327680xi32, #tpu.memory_space<hbm>> -> memref<128xi32, #tpu.memory_space<hbm>>
        tpu.wait_dma2 semaphore(%run_scoped3A : memref<!tpu.dma_semaphore, #tpu.memory_space<semaphore_mem>>) src(%dma_wait3A_56 : memref<128xi32, #tpu.memory_space<hbm>>) dst(%arg8 : memref<128xi32, #tpu.memory_space<vmem>>)
        tpu.yield
      }) : () -> ()
      "tpu.region"() ({
        %run_scoped3A = tpu.sem_alloc : memref<!tpu.dma_semaphore, #tpu.memory_space<semaphore_mem>>
        %dma_start3A_53 = tpu.memref_slice %arg4[%multiple_of3A_30] : memref<327680xi32, #tpu.memory_space<hbm>> -> memref<128xi32, #tpu.memory_space<hbm>>
        %dma_start3A_54 = tpu.memref_slice %arg4[%multiple_of3A_30] : memref<327680xi32, #tpu.memory_space<hbm>> -> memref<128xi32, #tpu.memory_space<hbm>>
        tpu.enqueue_dma source(%dma_start3A_54 : memref<128xi32, #tpu.memory_space<hbm>>) target(%arg10 : memref<128xi32, #tpu.memory_space<vmem>>) target_semaphore(%run_scoped3A : memref<!tpu.dma_semaphore, #tpu.memory_space<semaphore_mem>>)
        %dma_wait3A_55 = tpu.memref_slice %arg4[%multiple_of3A_30] : memref<327680xi32, #tpu.memory_space<hbm>> -> memref<128xi32, #tpu.memory_space<hbm>>
        %dma_wait3A_56 = tpu.memref_slice %arg4[%multiple_of3A_30] : memref<327680xi32, #tpu.memory_space<hbm>> -> memref<128xi32, #tpu.memory_space<hbm>>
        tpu.wait_dma2 semaphore(%run_scoped3A : memref<!tpu.dma_semaphore, #tpu.memory_space<semaphore_mem>>) src(%dma_wait3A_56 : memref<128xi32, #tpu.memory_space<hbm>>) dst(%arg10 : memref<128xi32, #tpu.memory_space<vmem>>)
        tpu.yield
      }) : () -> ()
      %dma_start3A = arith.constant 0 : i32
      %dma_start3A_31 = arith.constant 0 : i32
      %dma_start3A_32 = tpu.memref_slice %arg2[%dma_start3A, %dma_start3A_31] : memref<10000x128xf32, #tpu.memory_space<hbm>> -> memref<10000x128xf32, #tpu.memory_space<hbm>>
      tpu.enqueue_indirect_dma source(%dma_start3A_32 : memref<10000x128xf32, #tpu.memory_space<hbm>>) target(%arg11 : memref<128x128xf32, #tpu.memory_space<vmem>>) offsets(%arg7 : memref<128xi32, #tpu.memory_space<vmem>>) semaphore(%arg15 : memref<!tpu.dma_semaphore, #tpu.memory_space<semaphore_mem>>)
      %dma_start3A_33 = arith.constant 0 : i32
      %dma_start3A_34 = arith.constant 0 : i32
      %dma_start3A_35 = tpu.memref_slice %arg2[%dma_start3A_33, %dma_start3A_34] : memref<10000x128xf32, #tpu.memory_space<hbm>> -> memref<10000x128xf32, #tpu.memory_space<hbm>>
      tpu.enqueue_indirect_dma source(%dma_start3A_35 : memref<10000x128xf32, #tpu.memory_space<hbm>>) target(%arg12 : memref<128x128xf32, #tpu.memory_space<vmem>>) offsets(%arg8 : memref<128xi32, #tpu.memory_space<vmem>>) semaphore(%arg15 : memref<!tpu.dma_semaphore, #tpu.memory_space<semaphore_mem>>)
      %dma_wait3A = arith.constant 0 : i32
      %dma_wait3A_36 = arith.constant 0 : i32
      %dma_wait3A_37 = tpu.memref_slice %arg2[%dma_wait3A, %dma_wait3A_36] : memref<10000x128xf32, #tpu.memory_space<hbm>> -> memref<10000x128xf32, #tpu.memory_space<hbm>>
      tpu.wait_indirect_dma semaphore(%arg15 : memref<!tpu.dma_semaphore, #tpu.memory_space<semaphore_mem>>) src(%dma_wait3A_37 : memref<10000x128xf32, #tpu.memory_space<hbm>>) dst(%arg11 : memref<128x128xf32, #tpu.memory_space<vmem>>)
      %dma_start3A_38 = arith.constant 0 : i32
      %dma_start3A_39 = arith.constant 0 : i32
      %dma_start3A_40 = tpu.memref_slice %arg13[%dma_start3A_38, %dma_start3A_39] : memref<10240x128xf32, #tpu.memory_space<vmem_shared>> -> memref<10240x128xf32, #tpu.memory_space<vmem_shared>>
      tpu.enqueue_indirect_dma source(%arg11 : memref<128x128xf32, #tpu.memory_space<vmem>>) target(%dma_start3A_40 : memref<10240x128xf32, #tpu.memory_space<vmem_shared>>) offsets(%arg9 : memref<128xi32, #tpu.memory_space<vmem>>) semaphore(%arg16 : memref<!tpu.dma_semaphore, #tpu.memory_space<semaphore_mem>>) {add = true}
      %dma_wait3A_41 = arith.constant 0 : i32
      %dma_wait3A_42 = arith.constant 0 : i32
      %dma_wait3A_43 = tpu.memref_slice %arg2[%dma_wait3A_41, %dma_wait3A_42] : memref<10000x128xf32, #tpu.memory_space<hbm>> -> memref<10000x128xf32, #tpu.memory_space<hbm>>
      tpu.wait_indirect_dma semaphore(%arg15 : memref<!tpu.dma_semaphore, #tpu.memory_space<semaphore_mem>>) src(%dma_wait3A_43 : memref<10000x128xf32, #tpu.memory_space<hbm>>) dst(%arg12 : memref<128x128xf32, #tpu.memory_space<vmem>>)
      %dma_start3A_44 = arith.constant 0 : i32
      %dma_start3A_45 = arith.constant 0 : i32
      %dma_start3A_46 = tpu.memref_slice %arg13[%dma_start3A_44, %dma_start3A_45] : memref<10240x128xf32, #tpu.memory_space<vmem_shared>> -> memref<10240x128xf32, #tpu.memory_space<vmem_shared>>
      tpu.enqueue_indirect_dma source(%arg12 : memref<128x128xf32, #tpu.memory_space<vmem>>) target(%dma_start3A_46 : memref<10240x128xf32, #tpu.memory_space<vmem_shared>>) offsets(%arg10 : memref<128xi32, #tpu.memory_space<vmem>>) semaphore(%arg16 : memref<!tpu.dma_semaphore, #tpu.memory_space<semaphore_mem>>) {add = true}
      %dma_wait3A_47 = arith.constant 0 : i32
      %dma_wait3A_48 = arith.constant 0 : i32
      %dma_wait3A_49 = tpu.memref_slice %arg13[%dma_wait3A_47, %dma_wait3A_48] : memref<10240x128xf32, #tpu.memory_space<vmem_shared>> -> memref<10240x128xf32, #tpu.memory_space<vmem_shared>>
      tpu.wait_indirect_dma semaphore(%arg16 : memref<!tpu.dma_semaphore, #tpu.memory_space<semaphore_mem>>) src(%arg11 : memref<128x128xf32, #tpu.memory_space<vmem>>) dst(%dma_wait3A_49 : memref<10240x128xf32, #tpu.memory_space<vmem_shared>>)
      %dma_wait3A_50 = arith.constant 0 : i32
      %dma_wait3A_51 = arith.constant 0 : i32
      %dma_wait3A_52 = tpu.memref_slice %arg13[%dma_wait3A_50, %dma_wait3A_51] : memref<10240x128xf32, #tpu.memory_space<vmem_shared>> -> memref<10240x128xf32, #tpu.memory_space<vmem_shared>>
      tpu.wait_indirect_dma semaphore(%arg16 : memref<!tpu.dma_semaphore, #tpu.memory_space<semaphore_mem>>) src(%arg12 : memref<128x128xf32, #tpu.memory_space<vmem>>) dst(%dma_wait3A_52 : memref<10240x128xf32, #tpu.memory_space<vmem_shared>>)
    }
    %scan3A_11 = arith.constant 40 : i32
    %barrier3A_12 = arith.constant 0 : index
    tpu.barrier barrier_id(%barrier3A_12)
    %mul3A_13 = arith.constant 640 : i32
    %mul3A_14 = arith.muli %arg1, %mul3A_13 : i32
    %mul3A_15 = arith.constant 640 : i32
    %mul3A_16 = arith.muli %arg1, %mul3A_15 : i32
    "tpu.region"() ({
      %run_scoped3A = tpu.sem_alloc : memref<!tpu.dma_semaphore, #tpu.memory_space<semaphore_mem>>
      %dma_start3A = arith.constant 0 : i32
      %dma_start3A_17 = tpu.memref_slice %arg6[%arg0, %mul3A_16, %dma_start3A] : memref<2x10240x128xf32, #tpu.memory_space<hbm>> -> memref<1x640x128xf32, #tpu.memory_space<hbm>>
      %dma_start3A_18 = tpu.memref_squeeze %dma_start3A_17 : memref<1x640x128xf32, #tpu.memory_space<hbm>> -> memref<640x128xf32, #tpu.memory_space<hbm>>
      %dma_start3A_19 = arith.constant 0 : i32
      %dma_start3A_20 = tpu.memref_slice %arg13[%mul3A_14, %dma_start3A_19] : memref<10240x128xf32, #tpu.memory_space<vmem_shared>> -> memref<640x128xf32, #tpu.memory_space<vmem_shared>>
      tpu.enqueue_dma source(%dma_start3A_20 : memref<640x128xf32, #tpu.memory_space<vmem_shared>>) target(%dma_start3A_18 : memref<640x128xf32, #tpu.memory_space<hbm>>) target_semaphore(%run_scoped3A : memref<!tpu.dma_semaphore, #tpu.memory_space<semaphore_mem>>)
      %dma_wait3A = arith.constant 0 : i32
      %dma_wait3A_21 = tpu.memref_slice %arg6[%arg0, %mul3A_16, %dma_wait3A] : memref<2x10240x128xf32, #tpu.memory_space<hbm>> -> memref<1x640x128xf32, #tpu.memory_space<hbm>>
      %dma_wait3A_22 = tpu.memref_squeeze %dma_wait3A_21 : memref<1x640x128xf32, #tpu.memory_space<hbm>> -> memref<640x128xf32, #tpu.memory_space<hbm>>
      %dma_wait3A_23 = arith.constant 0 : i32
      %dma_wait3A_24 = tpu.memref_slice %arg13[%mul3A_14, %dma_wait3A_23] : memref<10240x128xf32, #tpu.memory_space<vmem_shared>> -> memref<640x128xf32, #tpu.memory_space<vmem_shared>>
      tpu.wait_dma2 semaphore(%run_scoped3A : memref<!tpu.dma_semaphore, #tpu.memory_space<semaphore_mem>>) src(%dma_wait3A_24 : memref<640x128xf32, #tpu.memory_space<vmem_shared>>) dst(%dma_wait3A_22 : memref<640x128xf32, #tpu.memory_space<hbm>>)
      tpu.yield
    }) : () -> ()
    return
  }
}

#map = affine_map<(d0, d1) -> (0)>
#map1 = affine_map<(d0, d1) -> (0, 0)>
module attributes {stable_mosaic.version = 14 : i64} {
  func.func @_hist_body(%arg0: i32, %arg1: i32, %arg2: memref<320000xi32, #tpu.memory_space<hbm>>, %arg3: memref<10240xf32, #tpu.memory_space<hbm>>, %arg4: memref<80xf32, #tpu.memory_space<hbm>>, %arg5: memref<2x10240xf32, #tpu.memory_space<hbm>>, %arg6: memref<80xi32, #tpu.memory_space<vmem>>, %arg7: memref<80xf32, #tpu.memory_space<vmem>>, %arg8: memref<10240xf32, #tpu.memory_space<vmem_shared>>, %arg9: memref<!tpu.dma_semaphore, #tpu.memory_space<semaphore_mem>>) attributes {dimension_semantics = [#tpu.dimension_semantics<core_parallel>, #tpu.dimension_semantics<subcore_parallel>], iteration_bounds = array<i64: 2, 16>, scalar_prefetch = 0 : i64, scratch_operands = 4 : i64, tpu.core_type = #tpu.core_type<sc_vector_subcore>, window_params = [{transform_indices = #map}, {transform_indices = #map}, {transform_indices = #map}, {transform_indices = #map1}]} {
    %mul3A = arith.constant 16 : i32
    %mul3A_0 = arith.muli %arg0, %mul3A : i32
    %add3A = arith.addi %mul3A_0, %arg1 : i32
    "tpu.region"() ({
      %run_scoped3A = tpu.sem_alloc : memref<!tpu.dma_semaphore, #tpu.memory_space<semaphore_mem>>
      tpu.enqueue_dma source(%arg4 : memref<80xf32, #tpu.memory_space<hbm>>) target(%arg7 : memref<80xf32, #tpu.memory_space<vmem>>) target_semaphore(%run_scoped3A : memref<!tpu.dma_semaphore, #tpu.memory_space<semaphore_mem>>)
      tpu.wait_dma2 semaphore(%run_scoped3A : memref<!tpu.dma_semaphore, #tpu.memory_space<semaphore_mem>>) src(%arg4 : memref<80xf32, #tpu.memory_space<hbm>>) dst(%arg7 : memref<80xf32, #tpu.memory_space<vmem>>)
      tpu.yield
    }) : () -> ()
    %mul3A_1 = arith.constant 640 : i32
    %mul3A_2 = arith.muli %arg1, %mul3A_1 : i32
    %mul3A_3 = arith.constant 640 : i32
    %mul3A_4 = arith.muli %arg1, %mul3A_3 : i32
    "tpu.region"() ({
      %run_scoped3A = tpu.sem_alloc : memref<!tpu.dma_semaphore, #tpu.memory_space<semaphore_mem>>
      %dma_start3A = tpu.memref_slice %arg8[%mul3A_4] : memref<10240xf32, #tpu.memory_space<vmem_shared>> -> memref<640xf32, #tpu.memory_space<vmem_shared>>
      %dma_start3A_15 = tpu.memref_slice %arg3[%mul3A_2] : memref<10240xf32, #tpu.memory_space<hbm>> -> memref<640xf32, #tpu.memory_space<hbm>>
      tpu.enqueue_dma source(%dma_start3A_15 : memref<640xf32, #tpu.memory_space<hbm>>) target(%dma_start3A : memref<640xf32, #tpu.memory_space<vmem_shared>>) target_semaphore(%run_scoped3A : memref<!tpu.dma_semaphore, #tpu.memory_space<semaphore_mem>>)
      %dma_wait3A = tpu.memref_slice %arg8[%mul3A_4] : memref<10240xf32, #tpu.memory_space<vmem_shared>> -> memref<640xf32, #tpu.memory_space<vmem_shared>>
      %dma_wait3A_16 = tpu.memref_slice %arg3[%mul3A_2] : memref<10240xf32, #tpu.memory_space<hbm>> -> memref<640xf32, #tpu.memory_space<hbm>>
      tpu.wait_dma2 semaphore(%run_scoped3A : memref<!tpu.dma_semaphore, #tpu.memory_space<semaphore_mem>>) src(%dma_wait3A_16 : memref<640xf32, #tpu.memory_space<hbm>>) dst(%dma_wait3A : memref<640xf32, #tpu.memory_space<vmem_shared>>)
      tpu.yield
    }) : () -> ()
    %barrier3A = arith.constant 0 : index
    tpu.barrier barrier_id(%barrier3A)
    %scan3A = arith.constant 0 : i32
    %scan3A_5 = arith.constant 0 : i32
    %scan3A_6 = arith.constant 125 : i32
    %scan3A_7 = arith.addi %scan3A_5, %scan3A_6 : i32
    %scan3A_8 = arith.constant 1 : i32
    scf.for %scan3A_15 = %scan3A_5 to %scan3A_7 step %scan3A_8  : i32 {
      %mul3A_16 = arith.constant 10000 : i32
      %mul3A_17 = arith.muli %add3A, %mul3A_16 : i32
      %mul3A_18 = arith.constant 80 : i32
      %mul3A_19 = arith.muli %scan3A_15, %mul3A_18 : i32
      %add3A_20 = arith.addi %mul3A_17, %mul3A_19 : i32
      %multiple_of3A = tpu.assume_multiple %add3A_20, 8 : i32
      "tpu.region"() ({
        %run_scoped3A = tpu.sem_alloc : memref<!tpu.dma_semaphore, #tpu.memory_space<semaphore_mem>>
        %dma_start3A = tpu.memref_slice %arg2[%multiple_of3A] : memref<320000xi32, #tpu.memory_space<hbm>> -> memref<80xi32, #tpu.memory_space<hbm>>
        %dma_start3A_21 = tpu.memref_slice %arg2[%multiple_of3A] : memref<320000xi32, #tpu.memory_space<hbm>> -> memref<80xi32, #tpu.memory_space<hbm>>
        tpu.enqueue_dma source(%dma_start3A_21 : memref<80xi32, #tpu.memory_space<hbm>>) target(%arg6 : memref<80xi32, #tpu.memory_space<vmem>>) target_semaphore(%run_scoped3A : memref<!tpu.dma_semaphore, #tpu.memory_space<semaphore_mem>>)
        %dma_wait3A = tpu.memref_slice %arg2[%multiple_of3A] : memref<320000xi32, #tpu.memory_space<hbm>> -> memref<80xi32, #tpu.memory_space<hbm>>
        %dma_wait3A_22 = tpu.memref_slice %arg2[%multiple_of3A] : memref<320000xi32, #tpu.memory_space<hbm>> -> memref<80xi32, #tpu.memory_space<hbm>>
        tpu.wait_dma2 semaphore(%run_scoped3A : memref<!tpu.dma_semaphore, #tpu.memory_space<semaphore_mem>>) src(%dma_wait3A_22 : memref<80xi32, #tpu.memory_space<hbm>>) dst(%arg6 : memref<80xi32, #tpu.memory_space<vmem>>)
        tpu.yield
      }) : () -> ()
      "tpu.region"() ({
        %run_scoped3A = tpu.sem_alloc : memref<!tpu.dma_semaphore, #tpu.memory_space<semaphore_mem>>
        %dma_start3A = arith.constant 0 : i32
        %dma_start3A_21 = tpu.memref_slice %arg8[%dma_start3A] : memref<10240xf32, #tpu.memory_space<vmem_shared>> -> memref<10240xf32, #tpu.memory_space<vmem_shared>>
        tpu.enqueue_indirect_dma source(%arg7 : memref<80xf32, #tpu.memory_space<vmem>>) target(%dma_start3A_21 : memref<10240xf32, #tpu.memory_space<vmem_shared>>) offsets(%arg6 : memref<80xi32, #tpu.memory_space<vmem>>) semaphore(%run_scoped3A : memref<!tpu.dma_semaphore, #tpu.memory_space<semaphore_mem>>) {add = true}
        %dma_wait3A = arith.constant 0 : i32
        %dma_wait3A_22 = tpu.memref_slice %arg8[%dma_wait3A] : memref<10240xf32, #tpu.memory_space<vmem_shared>> -> memref<10240xf32, #tpu.memory_space<vmem_shared>>
        tpu.wait_indirect_dma semaphore(%run_scoped3A : memref<!tpu.dma_semaphore, #tpu.memory_space<semaphore_mem>>) src(%arg7 : memref<80xf32, #tpu.memory_space<vmem>>) dst(%dma_wait3A_22 : memref<10240xf32, #tpu.memory_space<vmem_shared>>)
        tpu.yield
      }) : () -> ()
    }
    %scan3A_9 = arith.constant 125 : i32
    %barrier3A_10 = arith.constant 0 : index
    tpu.barrier barrier_id(%barrier3A_10)
    %mul3A_11 = arith.constant 640 : i32
    %mul3A_12 = arith.muli %arg1, %mul3A_11 : i32
    %mul3A_13 = arith.constant 640 : i32
    %mul3A_14 = arith.muli %arg1, %mul3A_13 : i32
    "tpu.region"() ({
      %run_scoped3A = tpu.sem_alloc : memref<!tpu.dma_semaphore, #tpu.memory_space<semaphore_mem>>
      %dma_start3A = tpu.memref_slice %arg5[%arg0, %mul3A_14] : memref<2x10240xf32, #tpu.memory_space<hbm>> -> memref<1x640xf32, #tpu.memory_space<hbm>>
      %dma_start3A_15 = tpu.memref_squeeze %dma_start3A : memref<1x640xf32, #tpu.memory_space<hbm>> -> memref<640xf32, #tpu.memory_space<hbm>>
      %dma_start3A_16 = tpu.memref_slice %arg8[%mul3A_12] : memref<10240xf32, #tpu.memory_space<vmem_shared>> -> memref<640xf32, #tpu.memory_space<vmem_shared>>
      tpu.enqueue_dma source(%dma_start3A_16 : memref<640xf32, #tpu.memory_space<vmem_shared>>) target(%dma_start3A_15 : memref<640xf32, #tpu.memory_space<hbm>>) target_semaphore(%run_scoped3A : memref<!tpu.dma_semaphore, #tpu.memory_space<semaphore_mem>>)
      %dma_wait3A = tpu.memref_slice %arg5[%arg0, %mul3A_14] : memref<2x10240xf32, #tpu.memory_space<hbm>> -> memref<1x640xf32, #tpu.memory_space<hbm>>
      %dma_wait3A_17 = tpu.memref_squeeze %dma_wait3A : memref<1x640xf32, #tpu.memory_space<hbm>> -> memref<640xf32, #tpu.memory_space<hbm>>
      %dma_wait3A_18 = tpu.memref_slice %arg8[%mul3A_12] : memref<10240xf32, #tpu.memory_space<vmem_shared>> -> memref<640xf32, #tpu.memory_space<vmem_shared>>
      tpu.wait_dma2 semaphore(%run_scoped3A : memref<!tpu.dma_semaphore, #tpu.memory_space<semaphore_mem>>) src(%dma_wait3A_18 : memref<640xf32, #tpu.memory_space<vmem_shared>>) dst(%dma_wait3A_17 : memref<640xf32, #tpu.memory_space<hbm>>)
      tpu.yield
    }) : () -> ()
    return
  }
}

#map = affine_map<(d0, d1) -> (0, 0)>
#map1 = affine_map<(d0, d1) -> (0)>
#map2 = affine_map<(d0, d1) -> (0, 0, 0)>
module attributes {stable_mosaic.version = 14 : i64} {
  func.func @_agg_full_body(%arg0: i32, %arg1: i32, %arg2: memref<10000x128xf32, #tpu.memory_space<hbm>>, %arg3: memref<327680xi32, #tpu.memory_space<hbm>>, %arg4: memref<327680xi32, #tpu.memory_space<hbm>>, %arg5: memref<10240x128xf32, #tpu.memory_space<hbm>>, %arg6: memref<2x10240x128xf32, #tpu.memory_space<hbm>>, %arg7: memref<128xi32, #tpu.memory_space<vmem>>, %arg8: memref<128xi32, #tpu.memory_space<vmem>>, %arg9: memref<128xi32, #tpu.memory_space<vmem>>, %arg10: memref<128xi32, #tpu.memory_space<vmem>>, %arg11: memref<128x128xf32, #tpu.memory_space<vmem>>, %arg12: memref<128x128xf32, #tpu.memory_space<vmem>>, %arg13: memref<10240x128xf32, #tpu.memory_space<vmem_shared>>, %arg14: memref<!tpu.dma_semaphore, #tpu.memory_space<semaphore_mem>>, %arg15: memref<!tpu.dma_semaphore, #tpu.memory_space<semaphore_mem>>, %arg16: memref<!tpu.dma_semaphore, #tpu.memory_space<semaphore_mem>>) attributes {dimension_semantics = [#tpu.dimension_semantics<core_parallel>, #tpu.dimension_semantics<subcore_parallel>], iteration_bounds = array<i64: 2, 16>, scalar_prefetch = 0 : i64, scratch_operands = 10 : i64, tpu.core_type = #tpu.core_type<sc_vector_subcore>, window_params = [{transform_indices = #map}, {transform_indices = #map1}, {transform_indices = #map1}, {transform_indices = #map}, {transform_indices = #map2}]} {
    %mul3A = arith.constant 16 : i32
    %mul3A_0 = arith.muli %arg0, %mul3A : i32
    %add3A = arith.addi %mul3A_0, %arg1 : i32
    %mul3A_1 = arith.constant 10240 : i32
    %mul3A_2 = arith.muli %add3A, %mul3A_1 : i32
    %mul3A_3 = arith.constant 640 : i32
    %mul3A_4 = arith.muli %arg1, %mul3A_3 : i32
    %mul3A_5 = arith.constant 640 : i32
    %mul3A_6 = arith.muli %arg1, %mul3A_5 : i32
    "tpu.region"() ({
      %run_scoped3A = tpu.sem_alloc : memref<!tpu.dma_semaphore, #tpu.memory_space<semaphore_mem>>
      %dma_start3A = arith.constant 0 : i32
      %dma_start3A_17 = tpu.memref_slice %arg13[%mul3A_6, %dma_start3A] : memref<10240x128xf32, #tpu.memory_space<vmem_shared>> -> memref<640x128xf32, #tpu.memory_space<vmem_shared>>
      %dma_start3A_18 = arith.constant 0 : i32
      %dma_start3A_19 = tpu.memref_slice %arg5[%mul3A_4, %dma_start3A_18] : memref<10240x128xf32, #tpu.memory_space<hbm>> -> memref<640x128xf32, #tpu.memory_space<hbm>>
      tpu.enqueue_dma source(%dma_start3A_19 : memref<640x128xf32, #tpu.memory_space<hbm>>) target(%dma_start3A_17 : memref<640x128xf32, #tpu.memory_space<vmem_shared>>) target_semaphore(%run_scoped3A : memref<!tpu.dma_semaphore, #tpu.memory_space<semaphore_mem>>)
      %dma_wait3A = arith.constant 0 : i32
      %dma_wait3A_20 = tpu.memref_slice %arg13[%mul3A_6, %dma_wait3A] : memref<10240x128xf32, #tpu.memory_space<vmem_shared>> -> memref<640x128xf32, #tpu.memory_space<vmem_shared>>
      %dma_wait3A_21 = arith.constant 0 : i32
      %dma_wait3A_22 = tpu.memref_slice %arg5[%mul3A_4, %dma_wait3A_21] : memref<10240x128xf32, #tpu.memory_space<hbm>> -> memref<640x128xf32, #tpu.memory_space<hbm>>
      tpu.wait_dma2 semaphore(%run_scoped3A : memref<!tpu.dma_semaphore, #tpu.memory_space<semaphore_mem>>) src(%dma_wait3A_22 : memref<640x128xf32, #tpu.memory_space<hbm>>) dst(%dma_wait3A_20 : memref<640x128xf32, #tpu.memory_space<vmem_shared>>)
      tpu.yield
    }) : () -> ()
    %barrier3A = arith.constant 0 : index
    tpu.barrier barrier_id(%barrier3A)
    %scan3A = arith.constant 0 : i32
    %scan3A_7 = arith.constant 0 : i32
    %scan3A_8 = arith.constant 40 : i32
    %scan3A_9 = arith.addi %scan3A_7, %scan3A_8 : i32
    %scan3A_10 = arith.constant 1 : i32
    scf.for %scan3A_17 = %scan3A_7 to %scan3A_9 step %scan3A_10  : i32 {
      %mul3A_18 = arith.constant 2 : i32
      %mul3A_19 = arith.muli %scan3A_17, %mul3A_18 : i32
      %add3A_20 = arith.constant 0 : i32
      %add3A_21 = arith.addi %mul3A_19, %add3A_20 : i32
      %mul3A_22 = arith.constant 128 : i32
      %mul3A_23 = arith.muli %add3A_21, %mul3A_22 : i32
      %add3A_24 = arith.addi %mul3A_2, %mul3A_23 : i32
      %multiple_of3A = tpu.assume_multiple %add3A_24, 8 : i32
      "tpu.region"() ({
        %run_scoped3A = tpu.sem_alloc : memref<!tpu.dma_semaphore, #tpu.memory_space<semaphore_mem>>
        %dma_start3A_53 = tpu.memref_slice %arg3[%multiple_of3A] : memref<327680xi32, #tpu.memory_space<hbm>> -> memref<128xi32, #tpu.memory_space<hbm>>
        %dma_start3A_54 = tpu.memref_slice %arg3[%multiple_of3A] : memref<327680xi32, #tpu.memory_space<hbm>> -> memref<128xi32, #tpu.memory_space<hbm>>
        tpu.enqueue_dma source(%dma_start3A_54 : memref<128xi32, #tpu.memory_space<hbm>>) target(%arg7 : memref<128xi32, #tpu.memory_space<vmem>>) target_semaphore(%run_scoped3A : memref<!tpu.dma_semaphore, #tpu.memory_space<semaphore_mem>>)
        %dma_wait3A_55 = tpu.memref_slice %arg3[%multiple_of3A] : memref<327680xi32, #tpu.memory_space<hbm>> -> memref<128xi32, #tpu.memory_space<hbm>>
        %dma_wait3A_56 = tpu.memref_slice %arg3[%multiple_of3A] : memref<327680xi32, #tpu.memory_space<hbm>> -> memref<128xi32, #tpu.memory_space<hbm>>
        tpu.wait_dma2 semaphore(%run_scoped3A : memref<!tpu.dma_semaphore, #tpu.memory_space<semaphore_mem>>) src(%dma_wait3A_56 : memref<128xi32, #tpu.memory_space<hbm>>) dst(%arg7 : memref<128xi32, #tpu.memory_space<vmem>>)
        tpu.yield
      }) : () -> ()
      "tpu.region"() ({
        %run_scoped3A = tpu.sem_alloc : memref<!tpu.dma_semaphore, #tpu.memory_space<semaphore_mem>>
        %dma_start3A_53 = tpu.memref_slice %arg4[%multiple_of3A] : memref<327680xi32, #tpu.memory_space<hbm>> -> memref<128xi32, #tpu.memory_space<hbm>>
        %dma_start3A_54 = tpu.memref_slice %arg4[%multiple_of3A] : memref<327680xi32, #tpu.memory_space<hbm>> -> memref<128xi32, #tpu.memory_space<hbm>>
        tpu.enqueue_dma source(%dma_start3A_54 : memref<128xi32, #tpu.memory_space<hbm>>) target(%arg9 : memref<128xi32, #tpu.memory_space<vmem>>) target_semaphore(%run_scoped3A : memref<!tpu.dma_semaphore, #tpu.memory_space<semaphore_mem>>)
        %dma_wait3A_55 = tpu.memref_slice %arg4[%multiple_of3A] : memref<327680xi32, #tpu.memory_space<hbm>> -> memref<128xi32, #tpu.memory_space<hbm>>
        %dma_wait3A_56 = tpu.memref_slice %arg4[%multiple_of3A] : memref<327680xi32, #tpu.memory_space<hbm>> -> memref<128xi32, #tpu.memory_space<hbm>>
        tpu.wait_dma2 semaphore(%run_scoped3A : memref<!tpu.dma_semaphore, #tpu.memory_space<semaphore_mem>>) src(%dma_wait3A_56 : memref<128xi32, #tpu.memory_space<hbm>>) dst(%arg9 : memref<128xi32, #tpu.memory_space<vmem>>)
        tpu.yield
      }) : () -> ()
      %add3A_25 = arith.constant 1 : i32
      %add3A_26 = arith.addi %mul3A_19, %add3A_25 : i32
      %mul3A_27 = arith.constant 128 : i32
      %mul3A_28 = arith.muli %add3A_26, %mul3A_27 : i32
      %add3A_29 = arith.addi %mul3A_2, %mul3A_28 : i32
      %multiple_of3A_30 = tpu.assume_multiple %add3A_29, 8 : i32
      "tpu.region"() ({
        %run_scoped3A = tpu.sem_alloc : memref<!tpu.dma_semaphore, #tpu.memory_space<semaphore_mem>>
        %dma_start3A_53 = tpu.memref_slice %arg3[%multiple_of3A_30] : memref<327680xi32, #tpu.memory_space<hbm>> -> memref<128xi32, #tpu.memory_space<hbm>>
        %dma_start3A_54 = tpu.memref_slice %arg3[%multiple_of3A_30] : memref<327680xi32, #tpu.memory_space<hbm>> -> memref<128xi32, #tpu.memory_space<hbm>>
        tpu.enqueue_dma source(%dma_start3A_54 : memref<128xi32, #tpu.memory_space<hbm>>) target(%arg8 : memref<128xi32, #tpu.memory_space<vmem>>) target_semaphore(%run_scoped3A : memref<!tpu.dma_semaphore, #tpu.memory_space<semaphore_mem>>)
        %dma_wait3A_55 = tpu.memref_slice %arg3[%multiple_of3A_30] : memref<327680xi32, #tpu.memory_space<hbm>> -> memref<128xi32, #tpu.memory_space<hbm>>
        %dma_wait3A_56 = tpu.memref_slice %arg3[%multiple_of3A_30] : memref<327680xi32, #tpu.memory_space<hbm>> -> memref<128xi32, #tpu.memory_space<hbm>>
        tpu.wait_dma2 semaphore(%run_scoped3A : memref<!tpu.dma_semaphore, #tpu.memory_space<semaphore_mem>>) src(%dma_wait3A_56 : memref<128xi32, #tpu.memory_space<hbm>>) dst(%arg8 : memref<128xi32, #tpu.memory_space<vmem>>)
        tpu.yield
      }) : () -> ()
      "tpu.region"() ({
        %run_scoped3A = tpu.sem_alloc : memref<!tpu.dma_semaphore, #tpu.memory_space<semaphore_mem>>
        %dma_start3A_53 = tpu.memref_slice %arg4[%multiple_of3A_30] : memref<327680xi32, #tpu.memory_space<hbm>> -> memref<128xi32, #tpu.memory_space<hbm>>
        %dma_start3A_54 = tpu.memref_slice %arg4[%multiple_of3A_30] : memref<327680xi32, #tpu.memory_space<hbm>> -> memref<128xi32, #tpu.memory_space<hbm>>
        tpu.enqueue_dma source(%dma_start3A_54 : memref<128xi32, #tpu.memory_space<hbm>>) target(%arg10 : memref<128xi32, #tpu.memory_space<vmem>>) target_semaphore(%run_scoped3A : memref<!tpu.dma_semaphore, #tpu.memory_space<semaphore_mem>>)
        %dma_wait3A_55 = tpu.memref_slice %arg4[%multiple_of3A_30] : memref<327680xi32, #tpu.memory_space<hbm>> -> memref<128xi32, #tpu.memory_space<hbm>>
        %dma_wait3A_56 = tpu.memref_slice %arg4[%multiple_of3A_30] : memref<327680xi32, #tpu.memory_space<hbm>> -> memref<128xi32, #tpu.memory_space<hbm>>
        tpu.wait_dma2 semaphore(%run_scoped3A : memref<!tpu.dma_semaphore, #tpu.memory_space<semaphore_mem>>) src(%dma_wait3A_56 : memref<128xi32, #tpu.memory_space<hbm>>) dst(%arg10 : memref<128xi32, #tpu.memory_space<vmem>>)
        tpu.yield
      }) : () -> ()
      %dma_start3A = arith.constant 0 : i32
      %dma_start3A_31 = arith.constant 0 : i32
      %dma_start3A_32 = tpu.memref_slice %arg2[%dma_start3A, %dma_start3A_31] : memref<10000x128xf32, #tpu.memory_space<hbm>> -> memref<10000x128xf32, #tpu.memory_space<hbm>>
      tpu.enqueue_indirect_dma source(%dma_start3A_32 : memref<10000x128xf32, #tpu.memory_space<hbm>>) target(%arg11 : memref<128x128xf32, #tpu.memory_space<vmem>>) offsets(%arg7 : memref<128xi32, #tpu.memory_space<vmem>>) semaphore(%arg15 : memref<!tpu.dma_semaphore, #tpu.memory_space<semaphore_mem>>)
      %dma_start3A_33 = arith.constant 0 : i32
      %dma_start3A_34 = arith.constant 0 : i32
      %dma_start3A_35 = tpu.memref_slice %arg2[%dma_start3A_33, %dma_start3A_34] : memref<10000x128xf32, #tpu.memory_space<hbm>> -> memref<10000x128xf32, #tpu.memory_space<hbm>>
      tpu.enqueue_indirect_dma source(%dma_start3A_35 : memref<10000x128xf32, #tpu.memory_space<hbm>>) target(%arg12 : memref<128x128xf32, #tpu.memory_space<vmem>>) offsets(%arg8 : memref<128xi32, #tpu.memory_space<vmem>>) semaphore(%arg15 : memref<!tpu.dma_semaphore, #tpu.memory_space<semaphore_mem>>)
      %dma_wait3A = arith.constant 0 : i32
      %dma_wait3A_36 = arith.constant 0 : i32
      %dma_wait3A_37 = tpu.memref_slice %arg2[%dma_wait3A, %dma_wait3A_36] : memref<10000x128xf32, #tpu.memory_space<hbm>> -> memref<10000x128xf32, #tpu.memory_space<hbm>>
      tpu.wait_indirect_dma semaphore(%arg15 : memref<!tpu.dma_semaphore, #tpu.memory_space<semaphore_mem>>) src(%dma_wait3A_37 : memref<10000x128xf32, #tpu.memory_space<hbm>>) dst(%arg11 : memref<128x128xf32, #tpu.memory_space<vmem>>)
      %dma_start3A_38 = arith.constant 0 : i32
      %dma_start3A_39 = arith.constant 0 : i32
      %dma_start3A_40 = tpu.memref_slice %arg13[%dma_start3A_38, %dma_start3A_39] : memref<10240x128xf32, #tpu.memory_space<vmem_shared>> -> memref<10240x128xf32, #tpu.memory_space<vmem_shared>>
      tpu.enqueue_indirect_dma source(%arg11 : memref<128x128xf32, #tpu.memory_space<vmem>>) target(%dma_start3A_40 : memref<10240x128xf32, #tpu.memory_space<vmem_shared>>) offsets(%arg9 : memref<128xi32, #tpu.memory_space<vmem>>) semaphore(%arg16 : memref<!tpu.dma_semaphore, #tpu.memory_space<semaphore_mem>>) {add = true}
      %dma_wait3A_41 = arith.constant 0 : i32
      %dma_wait3A_42 = arith.constant 0 : i32
      %dma_wait3A_43 = tpu.memref_slice %arg2[%dma_wait3A_41, %dma_wait3A_42] : memref<10000x128xf32, #tpu.memory_space<hbm>> -> memref<10000x128xf32, #tpu.memory_space<hbm>>
      tpu.wait_indirect_dma semaphore(%arg15 : memref<!tpu.dma_semaphore, #tpu.memory_space<semaphore_mem>>) src(%dma_wait3A_43 : memref<10000x128xf32, #tpu.memory_space<hbm>>) dst(%arg12 : memref<128x128xf32, #tpu.memory_space<vmem>>)
      %dma_start3A_44 = arith.constant 0 : i32
      %dma_start3A_45 = arith.constant 0 : i32
      %dma_start3A_46 = tpu.memref_slice %arg13[%dma_start3A_44, %dma_start3A_45] : memref<10240x128xf32, #tpu.memory_space<vmem_shared>> -> memref<10240x128xf32, #tpu.memory_space<vmem_shared>>
      tpu.enqueue_indirect_dma source(%arg12 : memref<128x128xf32, #tpu.memory_space<vmem>>) target(%dma_start3A_46 : memref<10240x128xf32, #tpu.memory_space<vmem_shared>>) offsets(%arg10 : memref<128xi32, #tpu.memory_space<vmem>>) semaphore(%arg16 : memref<!tpu.dma_semaphore, #tpu.memory_space<semaphore_mem>>) {add = true}
      %dma_wait3A_47 = arith.constant 0 : i32
      %dma_wait3A_48 = arith.constant 0 : i32
      %dma_wait3A_49 = tpu.memref_slice %arg13[%dma_wait3A_47, %dma_wait3A_48] : memref<10240x128xf32, #tpu.memory_space<vmem_shared>> -> memref<10240x128xf32, #tpu.memory_space<vmem_shared>>
      tpu.wait_indirect_dma semaphore(%arg16 : memref<!tpu.dma_semaphore, #tpu.memory_space<semaphore_mem>>) src(%arg11 : memref<128x128xf32, #tpu.memory_space<vmem>>) dst(%dma_wait3A_49 : memref<10240x128xf32, #tpu.memory_space<vmem_shared>>)
      %dma_wait3A_50 = arith.constant 0 : i32
      %dma_wait3A_51 = arith.constant 0 : i32
      %dma_wait3A_52 = tpu.memref_slice %arg13[%dma_wait3A_50, %dma_wait3A_51] : memref<10240x128xf32, #tpu.memory_space<vmem_shared>> -> memref<10240x128xf32, #tpu.memory_space<vmem_shared>>
      tpu.wait_indirect_dma semaphore(%arg16 : memref<!tpu.dma_semaphore, #tpu.memory_space<semaphore_mem>>) src(%arg12 : memref<128x128xf32, #tpu.memory_space<vmem>>) dst(%dma_wait3A_52 : memref<10240x128xf32, #tpu.memory_space<vmem_shared>>)
    }
    %scan3A_11 = arith.constant 40 : i32
    %barrier3A_12 = arith.constant 0 : index
    tpu.barrier barrier_id(%barrier3A_12)
    %mul3A_13 = arith.constant 640 : i32
    %mul3A_14 = arith.muli %arg1, %mul3A_13 : i32
    %mul3A_15 = arith.constant 640 : i32
    %mul3A_16 = arith.muli %arg1, %mul3A_15 : i32
    "tpu.region"() ({
      %run_scoped3A = tpu.sem_alloc : memref<!tpu.dma_semaphore, #tpu.memory_space<semaphore_mem>>
      %dma_start3A = arith.constant 0 : i32
      %dma_start3A_17 = tpu.memref_slice %arg6[%arg0, %mul3A_16, %dma_start3A] : memref<2x10240x128xf32, #tpu.memory_space<hbm>> -> memref<1x640x128xf32, #tpu.memory_space<hbm>>
      %dma_start3A_18 = tpu.memref_squeeze %dma_start3A_17 : memref<1x640x128xf32, #tpu.memory_space<hbm>> -> memref<640x128xf32, #tpu.memory_space<hbm>>
      %dma_start3A_19 = arith.constant 0 : i32
      %dma_start3A_20 = tpu.memref_slice %arg13[%mul3A_14, %dma_start3A_19] : memref<10240x128xf32, #tpu.memory_space<vmem_shared>> -> memref<640x128xf32, #tpu.memory_space<vmem_shared>>
      tpu.enqueue_dma source(%dma_start3A_20 : memref<640x128xf32, #tpu.memory_space<vmem_shared>>) target(%dma_start3A_18 : memref<640x128xf32, #tpu.memory_space<hbm>>) target_semaphore(%run_scoped3A : memref<!tpu.dma_semaphore, #tpu.memory_space<semaphore_mem>>)
      %dma_wait3A = arith.constant 0 : i32
      %dma_wait3A_21 = tpu.memref_slice %arg6[%arg0, %mul3A_16, %dma_wait3A] : memref<2x10240x128xf32, #tpu.memory_space<hbm>> -> memref<1x640x128xf32, #tpu.memory_space<hbm>>
      %dma_wait3A_22 = tpu.memref_squeeze %dma_wait3A_21 : memref<1x640x128xf32, #tpu.memory_space<hbm>> -> memref<640x128xf32, #tpu.memory_space<hbm>>
      %dma_wait3A_23 = arith.constant 0 : i32
      %dma_wait3A_24 = tpu.memref_slice %arg13[%mul3A_14, %dma_wait3A_23] : memref<10240x128xf32, #tpu.memory_space<vmem_shared>> -> memref<640x128xf32, #tpu.memory_space<vmem_shared>>
      tpu.wait_dma2 semaphore(%run_scoped3A : memref<!tpu.dma_semaphore, #tpu.memory_space<semaphore_mem>>) src(%dma_wait3A_24 : memref<640x128xf32, #tpu.memory_space<vmem_shared>>) dst(%dma_wait3A_22 : memref<640x128xf32, #tpu.memory_space<hbm>>)
      tpu.yield
    }) : () -> ()
    return
  }
}

module attributes {stable_mosaic.version = 14 : i64} {
  func.func @_layer1_body(%arg0: i32, %arg1: memref<1024x128xf32, #tpu.memory_space<vmem>>, %arg2: memref<128x128xf32, #tpu.memory_space<vmem>>, %arg3: memref<2x1x1024xf32, #tpu.memory_space<vmem>>, %arg4: memref<1024x128xf32, #tpu.memory_space<vmem>>, %arg5: memref<1024x1xf32, #tpu.memory_space<vmem>>) attributes {dimension_semantics = [#tpu.dimension_semantics<arbitrary>], iteration_bounds = array<i64: 10>, scalar_prefetch = 0 : i64, scratch_operands = 0 : i64, tpu.core_type = #tpu.core_type<tc>, window_params = [{transform_indices = @transform_0, window_bounds = array<i64: 1024, 128>}, {pipeline_mode = #tpu.pipeline_mode<synchronous>, transform_indices = @transform_1, window_bounds = array<i64: 128, 128>}, {transform_indices = @transform_2, window_bounds = array<i64: 2, 1, 1024>}, {transform_indices = @transform_3, window_bounds = array<i64: 1024, 128>}, {transform_indices = @transform_4, window_bounds = array<i64: 1024, 1>}]} {
    %get3A = arith.constant 0 : index
    %get3A_0 = arith.constant 0 : index
    %get3A_1 = arith.constant 0 : index
    %get3A_2 = vector.load %arg3[%get3A, %get3A_0, %get3A_1] : memref<2x1x1024xf32, #tpu.memory_space<vmem>>, vector<1x1x1024xf32>
    %get3A_3 = vector.shape_cast %get3A_2 : vector<1x1x1024xf32> to vector<1x1024xf32>
    %get3A_4 = arith.constant 1 : index
    %get3A_5 = arith.constant 0 : index
    %get3A_6 = arith.constant 0 : index
    %get3A_7 = vector.load %arg3[%get3A_4, %get3A_5, %get3A_6] : memref<2x1x1024xf32, #tpu.memory_space<vmem>>, vector<1x1x1024xf32>
    %get3A_8 = vector.shape_cast %get3A_7 : vector<1x1x1024xf32> to vector<1x1024xf32>
    %add3A = arith.addf %get3A_3, %get3A_8 : vector<1x1024xf32>
    %broadcast_in_dim3A = arith.constant 1.000000e+00 : f32
    %broadcast_in_dim3A_9 = vector.broadcast %broadcast_in_dim3A : f32 to vector<1x1xf32>
    %dot_general3A = arith.constant dense<0.000000e+00> : vector<1024x1xf32>
    %dot_general3A_10 = tpu.matmul %add3A, %broadcast_in_dim3A_9, %dot_general3A {dimension_numbers = #tpu.dot_dimension_numbers<[0], [0], [1], [1], [0, 1, 1, 1], [], []>, transpose_lhs_hint = false} : vector<1x1024xf32>, vector<1x1xf32>, vector<1024x1xf32> -> vector<1024x1xf32>
    %add3A_11 = arith.constant 1.000000e+00 : f32
    %add3A_12 = vector.broadcast %add3A_11 : f32 to vector<1024x1xf32>
    %add3A_13 = arith.addf %dot_general3A_10, %add3A_12 : vector<1024x1xf32>
    %rsqrt3A = math.rsqrt %add3A_13 : vector<1024x1xf32>
    %get3A_14 = arith.constant 0 : index
    %get3A_15 = arith.constant 0 : index
    %get3A_16 = vector.load %arg1[%get3A_14, %get3A_15] : memref<1024x128xf32, #tpu.memory_space<vmem>>, vector<1024x128xf32>
    %get3A_17 = arith.constant 0 : index
    %get3A_18 = arith.constant 0 : index
    %get3A_19 = vector.load %arg2[%get3A_17, %get3A_18] : memref<128x128xf32, #tpu.memory_space<vmem>>, vector<128x128xf32>
    %dot_general3A_20 = arith.constant dense<0.000000e+00> : vector<1024x128xf32>
    %dot_general3A_21 = tpu.matmul %get3A_16, %get3A_19, %dot_general3A_20 {dimension_numbers = #tpu.dot_dimension_numbers<[1], [0], [0], [1], [0, 0, 1, 1], [], []>, transpose_lhs_hint = false} : vector<1024x128xf32>, vector<128x128xf32>, vector<1024x128xf32> -> vector<1024x128xf32>
    %mul3A = vector.broadcast %rsqrt3A : vector<1024x1xf32> to vector<1024x128xf32>
    %mul3A_22 = arith.mulf %dot_general3A_21, %mul3A : vector<1024x128xf32>
    %swap3A = arith.constant 0 : index
    %swap3A_23 = arith.constant 0 : index
    %swap3A_24 = vector.load %arg4[%swap3A, %swap3A_23] : memref<1024x128xf32, #tpu.memory_space<vmem>>, vector<1024x128xf32>
    tpu.vector_store %arg4[%swap3A, %swap3A_23], %mul3A_22 {strides = array<i32>} : memref<1024x128xf32, #tpu.memory_space<vmem>>, vector<1024x128xf32>,
    %swap3A_25 = arith.constant 0 : index
    %swap3A_26 = arith.constant 0 : index
    %swap3A_27 = vector.load %arg5[%swap3A_25, %swap3A_26] : memref<1024x1xf32, #tpu.memory_space<vmem>>, vector<1024x1xf32>
    tpu.vector_store %arg5[%swap3A_25, %swap3A_26], %rsqrt3A {strides = array<i32>} : memref<1024x1xf32, #tpu.memory_space<vmem>>, vector<1024x1xf32>,
    return
  }
  func.func @transform_0(%arg0: i32) -> (i32, i32) {
    %c0_i32 = arith.constant 0 : i32
    %c0_i32_0 = arith.constant 0 : i32
    return %arg0, %c0_i32 : i32, i32
  }
  func.func @transform_1(%arg0: i32) -> (i32, i32) {
    %c0_i32 = arith.constant 0 : i32
    %c0_i32_0 = arith.constant 0 : i32
    %c0_i32_1 = arith.constant 0 : i32
    return %c0_i32, %c0_i32_0 : i32, i32
  }
  func.func @transform_2(%arg0: i32) -> (i32, i32, i32) {
    %c0_i32 = arith.constant 0 : i32
    %c0_i32_0 = arith.constant 0 : i32
    %c0_i32_1 = arith.constant 0 : i32
    return %c0_i32, %c0_i32_0, %arg0 : i32, i32, i32
  }
  func.func @transform_3(%arg0: i32) -> (i32, i32) {
    %c0_i32 = arith.constant 0 : i32
    %c0_i32_0 = arith.constant 0 : i32
    return %arg0, %c0_i32 : i32, i32
  }
  func.func @transform_4(%arg0: i32) -> (i32, i32) {
    %c0_i32 = arith.constant 0 : i32
    %c0_i32_0 = arith.constant 0 : i32
    return %arg0, %c0_i32 : i32, i32
  }
}

module attributes {stable_mosaic.version = 14 : i64} {
  func.func @_mid_body(%arg0: i32, %arg1: memref<2x1024x128xf32, #tpu.memory_space<vmem>>, %arg2: memref<1024x128xf32, #tpu.memory_space<vmem>>, %arg3: memref<1024x1xf32, #tpu.memory_space<vmem>>, %arg4: memref<1x128xf32, #tpu.memory_space<vmem>>, %arg5: memref<1x128xf32, #tpu.memory_space<vmem>>, %arg6: memref<1x128xf32, #tpu.memory_space<vmem>>, %arg7: memref<128x128xf32, #tpu.memory_space<vmem>>, %arg8: memref<1024x128xf32, #tpu.memory_space<vmem>>) attributes {dimension_semantics = [#tpu.dimension_semantics<arbitrary>], iteration_bounds = array<i64: 10>, scalar_prefetch = 0 : i64, scratch_operands = 0 : i64, tpu.core_type = #tpu.core_type<tc>, window_params = [{transform_indices = @transform_0, window_bounds = array<i64: 2, 1024, 128>}, {transform_indices = @transform_1, window_bounds = array<i64: 1024, 128>}, {transform_indices = @transform_2, window_bounds = array<i64: 1024, 1>}, {pipeline_mode = #tpu.pipeline_mode<synchronous>, transform_indices = @transform_3, window_bounds = array<i64: 1, 128>}, {pipeline_mode = #tpu.pipeline_mode<synchronous>, transform_indices = @transform_4, window_bounds = array<i64: 1, 128>}, {pipeline_mode = #tpu.pipeline_mode<synchronous>, transform_indices = @transform_5, window_bounds = array<i64: 1, 128>}, {pipeline_mode = #tpu.pipeline_mode<synchronous>, transform_indices = @transform_6, window_bounds = array<i64: 128, 128>}, {transform_indices = @transform_7, window_bounds = array<i64: 1024, 128>}]} {
    %get3A = arith.constant 0 : index
    %get3A_0 = arith.constant 0 : index
    %get3A_1 = vector.load %arg3[%get3A, %get3A_0] : memref<1024x1xf32, #tpu.memory_space<vmem>>, vector<1024x1xf32>
    %get3A_2 = arith.constant 0 : index
    %get3A_3 = arith.constant 0 : index
    %get3A_4 = arith.constant 0 : index
    %get3A_5 = vector.load %arg1[%get3A_2, %get3A_3, %get3A_4] : memref<2x1024x128xf32, #tpu.memory_space<vmem>>, vector<1x1024x128xf32>
    %get3A_6 = vector.shape_cast %get3A_5 : vector<1x1024x128xf32> to vector<1024x128xf32>
    %get3A_7 = arith.constant 1 : index
    %get3A_8 = arith.constant 0 : index
    %get3A_9 = arith.constant 0 : index
    %get3A_10 = vector.load %arg1[%get3A_7, %get3A_8, %get3A_9] : memref<2x1024x128xf32, #tpu.memory_space<vmem>>, vector<1x1024x128xf32>
    %get3A_11 = vector.shape_cast %get3A_10 : vector<1x1024x128xf32> to vector<1024x128xf32>
    %add3A = arith.addf %get3A_6, %get3A_11 : vector<1024x128xf32>
    %get3A_12 = arith.constant 0 : index
    %get3A_13 = arith.constant 0 : index
    %get3A_14 = vector.load %arg2[%get3A_12, %get3A_13] : memref<1024x128xf32, #tpu.memory_space<vmem>>, vector<1024x128xf32>
    %add3A_15 = arith.addf %add3A, %get3A_14 : vector<1024x128xf32>
    %mul3A = vector.broadcast %get3A_1 : vector<1024x1xf32> to vector<1024x128xf32>
    %mul3A_16 = arith.mulf %add3A_15, %mul3A : vector<1024x128xf32>
    %get3A_17 = arith.constant 0 : index
    %get3A_18 = arith.constant 0 : index
    %get3A_19 = vector.load %arg4[%get3A_17, %get3A_18] : memref<1x128xf32, #tpu.memory_space<vmem>>, vector<1x128xf32>
    %add3A_20 = vector.broadcast %get3A_19 : vector<1x128xf32> to vector<1024x128xf32>
    %add3A_21 = arith.addf %mul3A_16, %add3A_20 : vector<1024x128xf32>
    %get3A_22 = arith.constant 0 : index
    %get3A_23 = arith.constant 0 : index
    %get3A_24 = vector.load %arg5[%get3A_22, %get3A_23] : memref<1x128xf32, #tpu.memory_space<vmem>>, vector<1x128xf32>
    %mul3A_25 = arith.constant 0.999994993 : f32
    %mul3A_26 = vector.broadcast %mul3A_25 : f32 to vector<1x128xf32>
    %mul3A_27 = arith.mulf %get3A_24, %mul3A_26 : vector<1x128xf32>
    %mul3A_28 = vector.broadcast %mul3A_27 : vector<1x128xf32> to vector<1024x128xf32>
    %mul3A_29 = arith.mulf %add3A_21, %mul3A_28 : vector<1024x128xf32>
    %get3A_30 = arith.constant 0 : index
    %get3A_31 = arith.constant 0 : index
    %get3A_32 = vector.load %arg6[%get3A_30, %get3A_31] : memref<1x128xf32, #tpu.memory_space<vmem>>, vector<1x128xf32>
    %add3A_33 = vector.broadcast %get3A_32 : vector<1x128xf32> to vector<1024x128xf32>
    %add3A_34 = arith.addf %mul3A_29, %add3A_33 : vector<1024x128xf32>
    %max3A = arith.constant 0.000000e+00 : f32
    %max3A_35 = vector.broadcast %max3A : f32 to vector<1024x128xf32>
    %max3A_36 = arith.maximumf %add3A_34, %max3A_35 : vector<1024x128xf32>
    %get3A_37 = arith.constant 0 : index
    %get3A_38 = arith.constant 0 : index
    %get3A_39 = vector.load %arg7[%get3A_37, %get3A_38] : memref<128x128xf32, #tpu.memory_space<vmem>>, vector<128x128xf32>
    %dot_general3A = arith.constant dense<0.000000e+00> : vector<1024x128xf32>
    %dot_general3A_40 = tpu.matmul %max3A_36, %get3A_39, %dot_general3A {dimension_numbers = #tpu.dot_dimension_numbers<[1], [0], [0], [1], [0, 0, 1, 1], [], []>, transpose_lhs_hint = false} : vector<1024x128xf32>, vector<128x128xf32>, vector<1024x128xf32> -> vector<1024x128xf32>
    %mul3A_41 = vector.broadcast %get3A_1 : vector<1024x1xf32> to vector<1024x128xf32>
    %mul3A_42 = arith.mulf %dot_general3A_40, %mul3A_41 : vector<1024x128xf32>
    %swap3A = arith.constant 0 : index
    %swap3A_43 = arith.constant 0 : index
    %swap3A_44 = vector.load %arg8[%swap3A, %swap3A_43] : memref<1024x128xf32, #tpu.memory_space<vmem>>, vector<1024x128xf32>
    tpu.vector_store %arg8[%swap3A, %swap3A_43], %mul3A_42 {strides = array<i32>} : memref<1024x128xf32, #tpu.memory_space<vmem>>, vector<1024x128xf32>,
    return
  }
  func.func @transform_0(%arg0: i32) -> (i32, i32, i32) {
    %c0_i32 = arith.constant 0 : i32
    %c0_i32_0 = arith.constant 0 : i32
    %c0_i32_1 = arith.constant 0 : i32
    return %c0_i32, %arg0, %c0_i32_0 : i32, i32, i32
  }
  func.func @transform_1(%arg0: i32) -> (i32, i32) {
    %c0_i32 = arith.constant 0 : i32
    %c0_i32_0 = arith.constant 0 : i32
    return %arg0, %c0_i32 : i32, i32
  }
  func.func @transform_2(%arg0: i32) -> (i32, i32) {
    %c0_i32 = arith.constant 0 : i32
    %c0_i32_0 = arith.constant 0 : i32
    return %arg0, %c0_i32 : i32, i32
  }
  func.func @transform_3(%arg0: i32) -> (i32, i32) {
    %c0_i32 = arith.constant 0 : i32
    %c0_i32_0 = arith.constant 0 : i32
    %c0_i32_1 = arith.constant 0 : i32
    return %c0_i32, %c0_i32_0 : i32, i32
  }
  func.func @transform_4(%arg0: i32) -> (i32, i32) {
    %c0_i32 = arith.constant 0 : i32
    %c0_i32_0 = arith.constant 0 : i32
    %c0_i32_1 = arith.constant 0 : i32
    return %c0_i32, %c0_i32_0 : i32, i32
  }
  func.func @transform_5(%arg0: i32) -> (i32, i32) {
    %c0_i32 = arith.constant 0 : i32
    %c0_i32_0 = arith.constant 0 : i32
    %c0_i32_1 = arith.constant 0 : i32
    return %c0_i32, %c0_i32_0 : i32, i32
  }
  func.func @transform_6(%arg0: i32) -> (i32, i32) {
    %c0_i32 = arith.constant 0 : i32
    %c0_i32_0 = arith.constant 0 : i32
    %c0_i32_1 = arith.constant 0 : i32
    return %c0_i32, %c0_i32_0 : i32, i32
  }
  func.func @transform_7(%arg0: i32) -> (i32, i32) {
    %c0_i32 = arith.constant 0 : i32
    %c0_i32_0 = arith.constant 0 : i32
    return %arg0, %c0_i32 : i32, i32
  }
}

module attributes {stable_mosaic.version = 14 : i64} {
  func.func @_final_body(%arg0: i32, %arg1: memref<2x1024x128xf32, #tpu.memory_space<vmem>>, %arg2: memref<1024x128xf32, #tpu.memory_space<vmem>>, %arg3: memref<1024x1xf32, #tpu.memory_space<vmem>>, %arg4: memref<1x64xf32, #tpu.memory_space<vmem>>, %arg5: memref<1024x64xf32, #tpu.memory_space<vmem>>) attributes {dimension_semantics = [#tpu.dimension_semantics<arbitrary>], iteration_bounds = array<i64: 10>, scalar_prefetch = 0 : i64, scratch_operands = 0 : i64, tpu.core_type = #tpu.core_type<tc>, window_params = [{transform_indices = @transform_0, window_bounds = array<i64: 2, 1024, 128>}, {transform_indices = @transform_1, window_bounds = array<i64: 1024, 128>}, {transform_indices = @transform_2, window_bounds = array<i64: 1024, 1>}, {pipeline_mode = #tpu.pipeline_mode<synchronous>, transform_indices = @transform_3, window_bounds = array<i64: 1, 64>}, {transform_indices = @transform_4, window_bounds = array<i64: 1024, 64>}]} {
    %get3A = arith.constant 0 : index
    %get3A_0 = arith.constant 0 : index
    %get3A_1 = arith.constant 0 : index
    %get3A_2 = vector.load %arg1[%get3A, %get3A_0, %get3A_1] : memref<2x1024x128xf32, #tpu.memory_space<vmem>>, vector<1x1024x128xf32>
    %get3A_3 = vector.shape_cast %get3A_2 : vector<1x1024x128xf32> to vector<1024x128xf32>
    %get3A_4 = arith.constant 1 : index
    %get3A_5 = arith.constant 0 : index
    %get3A_6 = arith.constant 0 : index
    %get3A_7 = vector.load %arg1[%get3A_4, %get3A_5, %get3A_6] : memref<2x1024x128xf32, #tpu.memory_space<vmem>>, vector<1x1024x128xf32>
    %get3A_8 = vector.shape_cast %get3A_7 : vector<1x1024x128xf32> to vector<1024x128xf32>
    %add3A = arith.addf %get3A_3, %get3A_8 : vector<1024x128xf32>
    %get3A_9 = arith.constant 0 : index
    %get3A_10 = arith.constant 0 : index
    %get3A_11 = vector.load %arg2[%get3A_9, %get3A_10] : memref<1024x128xf32, #tpu.memory_space<vmem>>, vector<1024x128xf32>
    %add3A_12 = arith.addf %add3A, %get3A_11 : vector<1024x128xf32>
    %slice3A = vector.extract_strided_slice %add3A_12 {offsets = [0, 0], sizes = [1024, 64], strides = [1, 1]} : vector<1024x128xf32> to vector<1024x64xf32>
    %get3A_13 = arith.constant 0 : index
    %get3A_14 = arith.constant 0 : index
    %get3A_15 = vector.load %arg3[%get3A_13, %get3A_14] : memref<1024x1xf32, #tpu.memory_space<vmem>>, vector<1024x1xf32>
    %mul3A = vector.broadcast %get3A_15 : vector<1024x1xf32> to vector<1024x64xf32>
    %mul3A_16 = arith.mulf %slice3A, %mul3A : vector<1024x64xf32>
    %get3A_17 = arith.constant 0 : index
    %get3A_18 = arith.constant 0 : index
    %get3A_19 = vector.load %arg4[%get3A_17, %get3A_18] : memref<1x64xf32, #tpu.memory_space<vmem>>, vector<1x64xf32>
    %add3A_20 = vector.broadcast %get3A_19 : vector<1x64xf32> to vector<1024x64xf32>
    %add3A_21 = arith.addf %mul3A_16, %add3A_20 : vector<1024x64xf32>
    %logistic3A = arith.negf %add3A_21 : vector<1024x64xf32>
    %logistic3A_22 = math.exp %logistic3A : vector<1024x64xf32>
    %logistic3A_23 = arith.constant 1.000000e+00 : f32
    %logistic3A_24 = vector.broadcast %logistic3A_23 : f32 to vector<1024x64xf32>
    %logistic3A_25 = arith.addf %logistic3A_24, %logistic3A_22 : vector<1024x64xf32>
    %logistic3A_26 = arith.divf %logistic3A_24, %logistic3A_25 : vector<1024x64xf32>
    %swap3A = arith.constant 0 : index
    %swap3A_27 = arith.constant 0 : index
    %swap3A_28 = vector.load %arg5[%swap3A, %swap3A_27] : memref<1024x64xf32, #tpu.memory_space<vmem>>, vector<1024x64xf32>
    tpu.vector_store %arg5[%swap3A, %swap3A_27], %logistic3A_26 {strides = array<i32>} : memref<1024x64xf32, #tpu.memory_space<vmem>>, vector<1024x64xf32>,
    return
  }
  func.func @transform_0(%arg0: i32) -> (i32, i32, i32) {
    %c0_i32 = arith.constant 0 : i32
    %c0_i32_0 = arith.constant 0 : i32
    %c0_i32_1 = arith.constant 0 : i32
    return %c0_i32, %arg0, %c0_i32_0 : i32, i32, i32
  }
  func.func @transform_1(%arg0: i32) -> (i32, i32) {
    %c0_i32 = arith.constant 0 : i32
    %c0_i32_0 = arith.constant 0 : i32
    return %arg0, %c0_i32 : i32, i32
  }
  func.func @transform_2(%arg0: i32) -> (i32, i32) {
    %c0_i32 = arith.constant 0 : i32
    %c0_i32_0 = arith.constant 0 : i32
    return %arg0, %c0_i32 : i32, i32
  }
  func.func @transform_3(%arg0: i32) -> (i32, i32) {
    %c0_i32 = arith.constant 0 : i32
    %c0_i32_0 = arith.constant 0 : i32
    %c0_i32_1 = arith.constant 0 : i32
    return %c0_i32, %c0_i32_0 : i32, i32
  }
  func.func @transform_4(%arg0: i32) -> (i32, i32) {
    %c0_i32 = arith.constant 0 : i32
    %c0_i32_0 = arith.constant 0 : i32
    return %arg0, %c0_i32 : i32, i32
  }
}

</mosaic_0001>

<sc_bundles>
// kernel: kernel.10.cloned.1.call-start
scs
__scs_entry_jumppad:
0x0: {  	(pc) =	sbr.rel $0x88, $3  }
0x1: {  	(tag) =	ssettag $0x0;
	lr =	simm.s32 $0x1  }
0x2: {  	[smem:$0x3F95] =	sst lr;
	_ =	strace $0xD0000000  }
0x3: {  	_ = 	snop  }
0x4: {  	_ = 	snop  }
0x5: {  	_ = 	snop  }
0x6: {  	_ = 	snop  }
0x7: {  	_ = 	snop  }
__scs_overlays_trampoline_lowered:
0x8: {  	[smem:$0x3FA4] =	sst s0  }
0x9: {  	[smem:$0x3FA5] =	sst s1  }
0xa: {  	[smem:$0x3FA6] =	sst s2  }
0xb: {  	[smem:$0x3FA7] =	sst s3  }
0xc: {  	[smem:$0x3FA8] =	sst s4  }
0xd: {  	[smem:$0x3FA9] =	sst s5  }
0xe: {  	[smem:$0x3FAA] =	sst s6  }
0xf: {  	[smem:$0x3FAB] =	sst s7  }
0x10: {  	[smem:$0x3FAC] =	sst s8  }
0x11: {  	[smem:$0x3FAD] =	sst s9;
	s0 =	simm.s32 @!p0 $0x0  }
0x12: {  	s1 =	sld [smem:$0x3F93];
	s0 =	simm.s32 @p0 $0x1  }
0x13: {  	[smem:$0x3FAE] =	sst s0;
	s0 =	simm.s32 @!p1 $0x0  }
0x14: {  	s2 =	sld [smem:$0x3F92];
	s0 =	simm.s32 @p1 $0x1  }
0x15: {  	[smem:$0x3FAF] =	sst s0;
	s0 =	simm.s32 @!p2 $0x0  }
0x16: {  	s3 =	sld [smem:$0x3FDB];
	s0 =	simm.s32 @p2 $0x1  }
0x17: {  	s4 =	simm.s32 $0x1BF5;
	[smem:$0x3FB1] =	sst s0  }
0x18: {  	s0 =	sld [smem:$0x3F94];
	_ =	swait.ge [sflag:s4], $0x0  }
0x19: {  	s7 =	sld [smem:$0x3F95]  }
0x1a: {  	s8 =	sadd.s32 $0xFFFFE003, lr  }
0x1b: {  	s9 =	sadd.s32 $0xFFFFFEF7, lr;
	s5 =	simm.s32 $0xFFFFFFFF;
	p2 =	slt.u32 s8, $0xFFFFF086  }
0x1c: {  	p1 =	slt.u32 s9, $0xF7A;
	s5 =	simm.s32 @!p2 $0x0  }
0x1d: {  	s5 =	simm.s32 @p1 $0x1;
	p0 =	seq.s32 s7, s2  }
0x1e: {  	s7 =	smul.u32 @!p0 $0xF7A, s2;
	p2 =	seq.s32 @!p0 s5, $0x0  }
0x1f: {  	s9 =	smul.u32 $0xF7A, s1;
	s8 =	simm.s32 @!p0 $0x1BF5;
	p2 =	por !p2, p0  }
0x20: {  	[sflag:s8] =	ssyncset.s32 @!p0 $0xFFFFF086;
	s6 =	sadd.s32 @!p0 s3, s7;
	s7 =	simm.s32 @!p0 $0x108  }
0x21: {  	s3 =	sadd.s32 s3, s9;
	s6 =	sadd.s32 @!p0 $0x88, s6;
	s7 =	simm.s32 @p2 $0x1082  }
0x22: {  	[simem:s7], [sflag:s8] =	dma.local @!p0 [hbm:s6], $0xF7A  }
0x23: {  	s9 =	sor.u32 $0xD0000000, s2;
	s6 =	simm.s32 $0x108;
	_ =	swait.ge @!p0 [sflag:s8], $0x0  }
0x24: {  	s3 =	sadd.s32 $0x88, s3;
	s6 =	simm.s32 @!p1 $0x1082;
	[sflag:s4] =	ssyncset.s32 $0xFFFFF086  }
0x25: {  	[simem:s6], [sflag:s4] =	dma.local [hbm:s3], $0xF7A  }
0x26: {  	[smem:$0x3F95] =	sst s1;
	(tag) =	ssettag s2;
	_ =	strace s9  }
0x27: {  	s1 =	sld [smem:$0x3FA5]  }
0x28: {  	s2 =	sld [smem:$0x3FA6]  }
0x29: {  	s4 =	sld [smem:$0x3FA8]  }
0x2a: {  	p0 =	seq.s32 s5, $0x0;
	s5 =	sld [smem:$0x3FA9]  }
0x2b: {  	s6 =	sld [smem:$0x3FAA]  }
0x2c: {  	s7 =	sld [smem:$0x3FAB]  }
0x2d: {  	s3 =	simm.s32 $0x108;
	s8 =	sld [smem:$0x3FAC]  }
0x2e: {  	s3 =	simm.s32 @!p0 $0x1082;
	s9 =	sld [smem:$0x3FAD]  }
0x2f: {  	lr =	sadd.s32 s0, s3;
	s0 =	sld [smem:$0x3FA4]  }
0x30: {  	s3 =	sld [smem:$0x3FA7]  }
0x31: {  	[smem:$0x3FB0] =	sst s10  }
0x32: {  	s10 =	sld [smem:$0x3FAE];
	_ =	sdelay $0x3  }
0x33: {  	p0 =	seq.s32 s10, $0x1;
	s10 =	sld [smem:$0x3FB0];
	_ =	sdelay $0x3  }
0x34: {  	[smem:$0x3FB0] =	sst s10  }
0x35: {  	s10 =	sld [smem:$0x3FAF];
	_ =	sdelay $0x3  }
0x36: {  	p1 =	seq.s32 s10, $0x1;
	s10 =	sld [smem:$0x3FB0];
	_ =	sdelay $0x3  }
0x37: {  	[smem:$0x3FB0] =	sst s10  }
0x38: {  	s10 =	sld [smem:$0x3FB1]  }
0x39: {  	_ = 	snop;
	(pc) =	sbr.ind lr, $3  }
0x3a: {  	_ = 	snop  }
0x3b: {  	_ = 	snop  }
0x3c: {  	p2 =	seq.s32 s10, $0x1;
	s10 =	sld [smem:$0x3FB0]  }
0x3d: {  	_ =	shalt  }
0x3e: {  	_ =	shalt  }
0x3f: {  	_ =	shalt  }
0x40: {  	_ =	shalt  }
0x41: {  	_ =	shalt  }
0x42: {  	_ =	shalt  }
0x43: {  	_ =	shalt  }
0x44: {  	_ =	shalt  }
0x45: {  	_ =	shalt  }
0x46: {  	_ =	shalt  }
0x47: {  	_ =	shalt  }
0x48: {  	_ =	shalt  }
0x49: {  	_ =	shalt  }
0x4a: {  	_ =	shalt  }
0x4b: {  	_ =	shalt  }
0x4c: {  	_ =	shalt  }
0x4d: {  	_ =	shalt  }
0x4e: {  	_ =	shalt  }
0x4f: {  	_ =	shalt  }
0x50: {  	_ =	shalt  }
0x51: {  	_ =	shalt  }
0x52: {  	_ =	shalt  }
0x53: {  	_ =	shalt  }
0x54: {  	_ =	shalt  }
0x55: {  	_ =	shalt  }
0x56: {  	_ =	shalt  }
0x57: {  	_ =	shalt  }
0x58: {  	_ =	shalt  }
0x59: {  	_ =	shalt  }
0x5a: {  	_ =	shalt  }
0x5b: {  	_ =	shalt  }
0x5c: {  	_ =	shalt  }
0x5d: {  	_ =	shalt  }
0x5e: {  	_ =	shalt  }
0x5f: {  	_ =	shalt  }
0x60: {  	_ =	shalt  }
0x61: {  	_ =	shalt  }
0x62: {  	_ =	shalt  }
0x63: {  	_ =	shalt  }
0x64: {  	_ =	shalt  }
0x65: {  	_ =	shalt  }
0x66: {  	_ =	shalt  }
0x67: {  	_ =	shalt  }
0x68: {  	_ =	shalt  }
0x69: {  	_ =	shalt  }
0x6a: {  	_ =	shalt  }
0x6b: {  	_ =	shalt  }
0x6c: {  	_ =	shalt  }
0x6d: {  	_ =	shalt  }
0x6e: {  	_ =	shalt  }
0x6f: {  	_ =	shalt  }
0x70: {  	_ =	shalt  }
0x71: {  	_ =	shalt  }
0x72: {  	_ =	shalt  }
0x73: {  	_ =	shalt  }
0x74: {  	_ =	shalt  }
0x75: {  	_ =	shalt  }
0x76: {  	_ =	shalt  }
0x77: {  	_ =	shalt  }
0x78: {  	_ =	shalt  }
0x79: {  	_ =	shalt  }
0x7a: {  	_ =	shalt  }
0x7b: {  	_ =	shalt  }
0x7c: {  	_ =	shalt  }
0x7d: {  	_ =	shalt  }
0x7e: {  	_ =	shalt  }
0x7f: {  	_ =	shalt  }
0x80: {  	_ =	shalt  }
0x81: {  	_ =	shalt  }
0x82: {  	_ =	shalt  }
0x83: {  	_ =	shalt  }
0x84: {  	_ =	shalt  }
0x85: {  	_ =	shalt  }
0x86: {  	_ =	shalt  }
0x87: {  	_ =	shalt  }
.Lfunc_end0:
.L_simem_size_0:
called_computation_lowered:
.L_overlay_start_0:
0x88: {  	s2 =	sld [smem:$0x3FD9]  }
0x89: {  	s3 =	sld [smem:$0x3FFE];
	_ =	sdelay $0x1  }
0x8a: {  	s1 =	srdreg.scid  }
0x8b: {  	s0 =	sand.u32 $0x1, s1  }
0x8c: {  	s16 =	sshll.u32 s0, $0xA;
	s2 =	sadd.s32 s3, s2  }
0x8d: {  	s2 =	sadd.s32 s2, s16  }
0x8e: {  	[smem:$0x3FBC] =	sst s2  }
0x8f: {  	_ = 	snop  }
0x90: {  	(tm) =	ssettm $0x1  }
0x91: {  	s17 =	sld [smem:$0x3FFB];
	_ =	sdelay $0x3  }
0x92: {  	_ =	strace s17  }
0x93: {  	s2 =	sld [smem:$0x3FFC];
	_ =	sdelay $0x3  }
0x94: {  	_ =	strace s2  }
0x95: {  	s2 =	sld [smem:$0x3FFD];
	_ =	sdelay $0x3  }
0x96: {  	_ =	strace s2  }
0x97: {  	_ =	strace $0x8FFFFFFF  }
0x98: {  	s18 =	sld [smem:$0x3FDB];
	_ =	sdelay $0x1  }
0x99: {  	s19 =	simm.s32 $_scs_section_size  }
0x9a: {  	s4 =	simm.s32 $_size__tile_overlayer_lowered;
	s5 =	simm.s32 $_tile_overlayer_lowered  }
0x9b: {  	s22 =	simm.s32 $0x1BFF;
	s21 =	sshll.u32 s5, $0x1;
	s2 =	sadd.s32 s19, s18  }
0x9c: {  	s6 =	simm.s32 $0x0;
	s20 =	sshll.u32 s4, $0x1;
	s4 =	sadd.s32 s21, s2  }
0x9d: {  	[timem:s6], [sflag:s22] =	dma.local [hbm:s4], s20  }
0x9e: {  	_ =	swait.ge [sflag:s22], s20  }
0x9f: {  	s3 =	ssub.s32 $0x0, s20;
	[sflag:s22] =	ssyncset.done $0x0  }
0xa0: {  	[sflag:s22] =	ssyncadd.s32 s3;
	_ =	sdelay $0x1  }
0xa1: {  	s23 =	simm.s32 $0x1B8B  }
0xa2: {  	_ =	swait.ge [sflag:s23], $0x1  }
0xa3: {  	[sflag:s23] =	ssyncset.done $0x0  }
0xa4: {  	s25 =	simm.s32 $0x1B8E;
	s24 =	sld [smem:$0x3FFE];
	[sflag:s23] =	ssyncadd.s32 $0xFFFFFFFF  }
0xa5: {  	s26 =	simm.s32 $execute0_lowered;
	[smem:$0x3FD2] =	sst s25  }
0xa6: {  	s4 =	sshll.u32 s26, $0x1;
	_ =	strace $0x80000046;
	[dreg:$0x1] =	wrdreg $0xFFFFFFFF  }
0xa7: {  	s28 =	simm.s32 $_size_execute0_lowered;
	s2 =	sadd.s32 s2, s4;
	[dreg:$0x0] =	wrdreg $0x0  }
0xa8: {  	s4 =	sshll.u32 s28, $0x1;
	[dreg:$0x2] =	wrdreg s2  }
0xa9: {  	[dreg:$0x3] =	wrdreg s4  }
0xaa: {  	[dreg:$0x4] =	wrdreg $0xC0  }
0xab: {  	_ =	task [dreg:s6], $0x5FFFF  }
0xac: {  	[dreg:$0x1] =	wrdreg $0xFFFFFFFF  }
0xad: {  	[dreg:$0x0] =	wrdreg $0x60  }
0xae: {  	[dreg:$0x2] =	wrdreg s24  }
0xaf: {  	[dreg:$0x3] =	wrdreg $0x1000  }
0xb0: {  	[dreg:$0x4] =	wrdreg $0x9  }
0xb1: {  	_ =	task.clear_ibuf [dreg:s6], $0x5FFFF;
	_ =	strace $0x90000046  }
0xb2: {  	s29 =	simm.s32 $0x9;
	_ =	strace $0x80000048  }
0xb3: {  	_ =	swait.ge [sflag:s29], $0x1  }
0xb4: {  	[sflag:s29] =	ssyncadd.s32 $0xFFFFFFFF  }
0xb5: {  	_ =	strace $0x90000048  }
0xb6: {  	_ =	sfence  }
0xb7: {  	s30 =	sld [smem:$0x0];
	_ =	sdelay $0x2  }
0xb8: {  	s31 =	sshll.u32 s1, $0xD;
	s1 =	sshrl.u32 s1, $0x2  }
0xb9: {  	s3 =	sand.u32 $0x4000, s31;
	s1 =	sadd.s32 s1, s30  }
0xba: {  	s0 =	sor.u32 s3, s0;
	s1 =	sshll.u32 s1, $0x11  }
0xbb: {  	s0 =	sor.u32 s1, s0  }
0xbc: {  	s0 =	sadd.s32 $0x8F2B, s0  }
0xbd: {  	[sflag:s0] =	ssyncadd.remote.s32 $0x1  }
0xbe: {  	_ =	sfence.sel $0xFFFF  }
0xbf: {  	[dreg:$0x0] =	wrdreg $0xFFFFFFFF;
	(pc) =	sbr.abs _section_cstart, $3  }
0xc0: {  	[dreg:$0x1] =	wrdreg $0xFFFFFFFF  }
0xc1: {  	_ =	task.clear_ibuf [dreg:s6], $0x2FFFF;
	_ =	strace $0x9FFFFFFF  }
0xc2: {  	(tm) =	ssettm $0x7FFFFFFF  }
0xc3: {  	_ =	shalt  }
tec
execute0_lowered:
.L_overlay_start_1:
0x0: {  	(tag) =	ssettag $0x1  }
0x1: {  	s5 =	rddreg [dreg:$0x0]  }
0x2: {  	s0 =	srdreg.scid;
	s2 =	rddreg [dreg:$0x1]  }
0x3: {  	s1 =	rddreg [dreg:$0x2];
	s4 =	sand.u32 $0x1, s0  }
0x4: {  	s0 =	stileid.u32;
	s6 =	smul.u32 $0x27100, s4  }
0x5: {  	s3 =	simm.s32 $0x0;
	s13 =	simm.s32 $0x50;
	s7 =	smul.u32 $0x2710, s0  }
0x6: {  	s14 =	simm.s32 $0x20;
	s15 =	simm.s32 $0x10;
	s8 =	smul.u32 $0x280, s0  }
0x7: {  	s16 =	simm.s32 $0x0;
	[smem:$0x7FF] =	sst s3;
	s28 =	smul.u32 $0x500, s0  }
0x8: {  	_ =	strace $0x80000047;
	s9 =	sshll.u32 s4, $0x7;
	s30 =	ssub.s32 $0x2, s4  }
0x9: {  	s4 =	sadd.s32 $0xD400, s5;
	s11 =	sshll.u32 s0, $0x6;
	s31 =	sshrl.u32 s30, $0x1  }
0xa: {  	s11 =	sor.u32 $0x1C01, s11;
	s6 =	sadd.s32 s7, s6;
	s29 =	sshrl.u32 s8, $0x3  }
0xb: {  	s7 =	sor.u32 s9, s28;
	s9 =	ssub.s32 s30, s31;
	s12 =	sadd.s32 s8, s2  }
0xc: {  	s6 =	sshrl.u32 s6, $0x3;
	s7 =	sshrl.u32 s7, $0x3;
	s12 =	sshrl.u32 s12, $0x3  }
0xd: {  	s10 =	sadd.s32 s6, s5;
	s6 =	sadd.s32 s29, s5;
	s7 =	sadd.s32 s7, s5  }
0xe: {  	s5 =	sadd.s32 $0xD600, s6;
	s6 =	sadd.s32 $0xDC00, s7;
	s7 =	smax.u32 s9, $0x1  }
0xf: {  	s8 =	sadd.s32 $0x3600, s10;
	s9 =	simm.s32 $0x80;
	s10 =	simm.s32 $0x1  }
.LBB2_1:
0x10: {  	[tilespmem:s9], [sflag:$0x1] =	stream.linear.gather [hbm4b:s4+s3], $0x80, $0x38;
	[tilespmem:$0x380] =	vst v63  }
0x11: {  	_ =	swait.ge [sflag:s10], $0x80  }
0x12: {  	[sflag:s10] =	ssyncset.done $0x0  }
0x13: {  	[sflag:s10] =	ssyncadd.s32 $0xFFFFFF80  }
0x14: {  	[spmem:s12], [sflag:s11] =	dma.local [hbm:s5], $0x50  }
0x15: {  	_ =	swait.ge [sflag:s10], $0x50  }
0x16: {  	[sflag:s10] =	ssyncset.done $0x0  }
0x17: {  	[sflag:s10] =	ssyncadd.s32 $0xFFFFFFB0  }
0x18: {  	s17 =	sadd.s32 $0x0, s8;
	[bflag:$0x0] =	sbarrier.arrive $0xFFFF  }
0x19: {  	[tilespmem:s3], [sflag:$0x1] =	stream.linear.gather [hbm4b:s17+s3], $0x50, $0x38;
	[tilespmem:$0x380] =	vst v63  }
0x1a: {  	_ =	swait.ge [sflag:s10], $0x50  }
0x1b: {  	[sflag:s10] =	ssyncset.done $0x0  }
0x1c: {  	[sflag:s10] =	ssyncadd.s32 $0xFFFFFFB0  }
0x1d: {  	[spmem:s2] =	stream.indirect.scatter.add.f32 [tilespmem:s9], [sflag:$0x1], $0x1, s3, s13, $0xb8;
	[tilespmem:$0x380] =	vst v63  }
0x1e: {  	_ =	swait.ge [sflag:s10], $0x50  }
0x1f: {  	s18 =	simm.s32 $0x14;
	s17 =	simm.s32 $0xA;
	[sflag:s10] =	ssyncset.done $0x0  }
.LBB2_2:
0x20: {  	s19 =	sadd.s32 s17, s8  }
0x21: {  	[sflag:s10] =	ssyncadd.s32 $0xFFFFFFB0;
	s17 =	smov.u32 s18;
	s20 =	sadd.s32 $0xA, s18  }
0x22: {  	[tilespmem:s3], [sflag:$0x1] =	stream.linear.gather [hbm4b:s19+s3], $0x50, $0x38;
	[tilespmem:$0x380] =	vst v63  }
0x23: {  	p0 =	sne.s32 s18, $0x4D8;
	_ =	swait.ge [sflag:s10], $0x50  }
.Ltmp0:
0x24: {  	[sflag:s10] =	ssyncset.done $0x0;
	(pc) =	sbr.rel @p0 .LBB2_2-.Ltmp0, $4  }
0x25: {  	[sflag:s10] =	ssyncadd.s32 $0xFFFFFFB0  }
0x26: {  	[spmem:s2] =	stream.indirect.scatter.add.f32 [tilespmem:s9], [sflag:$0x1], $0x1, s3, s13, $0xb8;
	[tilespmem:$0x380] =	vst v63  }
0x27: {  	_ =	swait.ge [sflag:s10], $0x50  }
0x28: {  	s18 =	smov.u32 s20;
	[sflag:s10] =	ssyncset.done $0x0  }
0x29: {  	s17 =	sadd.s32 s17, s8;
	[sflag:s10] =	ssyncadd.s32 $0xFFFFFFB0  }
0x2a: {  	[tilespmem:s3], [sflag:$0x1] =	stream.linear.gather [hbm4b:s17+s3], $0x50, $0x38;
	[tilespmem:$0x380] =	vst v63  }
0x2b: {  	_ =	swait.ge [sflag:s10], $0x50  }
0x2c: {  	[sflag:s10] =	ssyncset.done $0x0  }
0x2d: {  	[sflag:s10] =	ssyncadd.s32 $0xFFFFFFB0  }
0x2e: {  	[spmem:s2] =	stream.indirect.scatter.add.f32 [tilespmem:s9], [sflag:$0x1], $0x1, s3, s13, $0xb8;
	[tilespmem:$0x380] =	vst v63  }
0x2f: {  	_ =	swait.ge [sflag:s10], $0x50  }
0x30: {  	s16 =	sadd.s32 $0x1, s16;
	[sflag:s10] =	ssyncset.done $0x0  }
0x31: {  	p0 =	sne.s32 s16, s7;
	[sflag:s10] =	ssyncadd.s32 $0xFFFFFFB0  }
.Ltmp1:
0x32: {  	[bflag:$0x0] =	sbarrier.arrive $0xFFFF;
	(pc) =	sbr.rel @p0 .LBB2_1-.Ltmp1, $4  }
0x33: {  	[hbm:s6@s14], [sflag:s11] =	dma.strided [spmem:s12@s15], $0x50, s10, $0x10   }
0x34: {  	_ =	swait.ge [sflag:s10], $0x50  }
0x35: {  	[sflag:s10] =	ssyncset.done $0x0  }
0x36: {  	[sflag:s10] =	ssyncadd.s32 $0xFFFFFFB0  }
0x37: {  	_ =	sfence.sel $0x180000  }
0x38: {  	[bflag:$0x0] =	sbarrier.arrive $0xFFFF  }
0x39: {  	p0 =	sne.s32 s0, $0x0;
	_ =	strace $0x90000047  }
0x3a: {  	s0 =	sadd.s32 @!p0 $0x100000, s1;
	[bflag:$0x2] =	sbarrier.arrive $0xFFFF  }
0x3b: {  	[sflag:s0] =	ssyncadd.tile.s32 @!p0 $0x1;
	_ =	shalt  }
.Lfunc_end2:
_tile_overlayer_lowered:
.L_overlay_start_2:
0x3c: {  	(tag) =	ssettag $0x2  }
0x3d: {  	s0 =	rddreg [dreg:$0x0];
	s2 =	stileid.u32  }
0x3e: {  	s1 =	rddreg [dreg:$0x1];
	p0 =	sne.s32 s2, $0x0  }
0x3f: {  	s3 =	rddreg [dreg:$0x2];
	[bflag:$0x3] =	sbarrier.arrive $0xFFFF;
	s2 =	simm.s32 @!p0 $0x1C01  }
0x40: {  	[timem:s3], [sflag:s2] =	dma.local @!p0 [hbm:s0], s1  }
0x41: {  	s0 =	simm.s32 @!p0 $0x1  }
0x42: {  	_ =	swait.ge @!p0 [sflag:s0], s1  }
0x43: {  	s1 =	ssub.s32 @!p0 $0x0, s1;
	[sflag:s0] =	ssyncset.done @!p0 $0x0  }
0x44: {  	[sflag:s0] =	ssyncadd.s32 @!p0 s1  }
0x45: {  	[bflag:$0x3] =	sbarrier.arrive $0xFFFF  }
0x46: {  	_ =	shalt  }

// kernel: kernel.13.cloned.1.call-start
scs
__scs_entry_jumppad:
0x0: {  	(pc) =	sbr.rel $0x88, $3  }
0x1: {  	(tag) =	ssettag $0x0;
	lr =	simm.s32 $0x1  }
0x2: {  	[smem:$0x3F95] =	sst lr;
	_ =	strace $0xD0000000  }
0x3: {  	_ = 	snop  }
0x4: {  	_ = 	snop  }
0x5: {  	_ = 	snop  }
0x6: {  	_ = 	snop  }
0x7: {  	_ = 	snop  }
__scs_overlays_trampoline_lowered:
0x8: {  	[smem:$0x3FA4] =	sst s0  }
0x9: {  	[smem:$0x3FA5] =	sst s1  }
0xa: {  	[smem:$0x3FA6] =	sst s2  }
0xb: {  	[smem:$0x3FA7] =	sst s3  }
0xc: {  	[smem:$0x3FA8] =	sst s4  }
0xd: {  	[smem:$0x3FA9] =	sst s5  }
0xe: {  	[smem:$0x3FAA] =	sst s6  }
0xf: {  	[smem:$0x3FAB] =	sst s7  }
0x10: {  	[smem:$0x3FAC] =	sst s8  }
0x11: {  	[smem:$0x3FAD] =	sst s9;
	s0 =	simm.s32 @!p0 $0x0  }
0x12: {  	s1 =	sld [smem:$0x3F93];
	s0 =	simm.s32 @p0 $0x1  }
0x13: {  	[smem:$0x3FAE] =	sst s0;
	s0 =	simm.s32 @!p1 $0x0  }
0x14: {  	s2 =	sld [smem:$0x3F92];
	s0 =	simm.s32 @p1 $0x1  }
0x15: {  	[smem:$0x3FAF] =	sst s0;
	s0 =	simm.s32 @!p2 $0x0  }
0x16: {  	s3 =	sld [smem:$0x3FDB];
	s0 =	simm.s32 @p2 $0x1  }
0x17: {  	s4 =	simm.s32 $0x1BF5;
	[smem:$0x3FB1] =	sst s0  }
0x18: {  	s0 =	sld [smem:$0x3F94];
	_ =	swait.ge [sflag:s4], $0x0  }
0x19: {  	s7 =	sld [smem:$0x3F95]  }
0x1a: {  	s8 =	sadd.s32 $0xFFFFE003, lr  }
0x1b: {  	s9 =	sadd.s32 $0xFFFFFEF7, lr;
	s5 =	simm.s32 $0xFFFFFFFF;
	p2 =	slt.u32 s8, $0xFFFFF086  }
0x1c: {  	p1 =	slt.u32 s9, $0xF7A;
	s5 =	simm.s32 @!p2 $0x0  }
0x1d: {  	s5 =	simm.s32 @p1 $0x1;
	p0 =	seq.s32 s7, s2  }
0x1e: {  	s7 =	smul.u32 @!p0 $0xF7A, s2;
	p2 =	seq.s32 @!p0 s5, $0x0  }
0x1f: {  	s9 =	smul.u32 $0xF7A, s1;
	s8 =	simm.s32 @!p0 $0x1BF5;
	p2 =	por !p2, p0  }
0x20: {  	[sflag:s8] =	ssyncset.s32 @!p0 $0xFFFFF086;
	s6 =	sadd.s32 @!p0 s3, s7;
	s7 =	simm.s32 @!p0 $0x108  }
0x21: {  	s3 =	sadd.s32 s3, s9;
	s6 =	sadd.s32 @!p0 $0x88, s6;
	s7 =	simm.s32 @p2 $0x1082  }
0x22: {  	[simem:s7], [sflag:s8] =	dma.local @!p0 [hbm:s6], $0xF7A  }
0x23: {  	s9 =	sor.u32 $0xD0000000, s2;
	s6 =	simm.s32 $0x108;
	_ =	swait.ge @!p0 [sflag:s8], $0x0  }
0x24: {  	s3 =	sadd.s32 $0x88, s3;
	s6 =	simm.s32 @!p1 $0x1082;
	[sflag:s4] =	ssyncset.s32 $0xFFFFF086  }
0x25: {  	[simem:s6], [sflag:s4] =	dma.local [hbm:s3], $0xF7A  }
0x26: {  	[smem:$0x3F95] =	sst s1;
	(tag) =	ssettag s2;
	_ =	strace s9  }
0x27: {  	s1 =	sld [smem:$0x3FA5]  }
0x28: {  	s2 =	sld [smem:$0x3FA6]  }
0x29: {  	s4 =	sld [smem:$0x3FA8]  }
0x2a: {  	p0 =	seq.s32 s5, $0x0;
	s5 =	sld [smem:$0x3FA9]  }
0x2b: {  	s6 =	sld [smem:$0x3FAA]  }
0x2c: {  	s7 =	sld [smem:$0x3FAB]  }
0x2d: {  	s3 =	simm.s32 $0x108;
	s8 =	sld [smem:$0x3FAC]  }
0x2e: {  	s3 =	simm.s32 @!p0 $0x1082;
	s9 =	sld [smem:$0x3FAD]  }
0x2f: {  	lr =	sadd.s32 s0, s3;
	s0 =	sld [smem:$0x3FA4]  }
0x30: {  	s3 =	sld [smem:$0x3FA7]  }
0x31: {  	[smem:$0x3FB0] =	sst s10  }
0x32: {  	s10 =	sld [smem:$0x3FAE];
	_ =	sdelay $0x3  }
0x33: {  	p0 =	seq.s32 s10, $0x1;
	s10 =	sld [smem:$0x3FB0];
	_ =	sdelay $0x3  }
0x34: {  	[smem:$0x3FB0] =	sst s10  }
0x35: {  	s10 =	sld [smem:$0x3FAF];
	_ =	sdelay $0x3  }
0x36: {  	p1 =	seq.s32 s10, $0x1;
	s10 =	sld [smem:$0x3FB0];
	_ =	sdelay $0x3  }
0x37: {  	[smem:$0x3FB0] =	sst s10  }
0x38: {  	s10 =	sld [smem:$0x3FB1]  }
0x39: {  	_ = 	snop;
	(pc) =	sbr.ind lr, $3  }
0x3a: {  	_ = 	snop  }
0x3b: {  	_ = 	snop  }
0x3c: {  	p2 =	seq.s32 s10, $0x1;
	s10 =	sld [smem:$0x3FB0]  }
0x3d: {  	_ =	shalt  }
0x3e: {  	_ =	shalt  }
0x3f: {  	_ =	shalt  }
0x40: {  	_ =	shalt  }
0x41: {  	_ =	shalt  }
0x42: {  	_ =	shalt  }
0x43: {  	_ =	shalt  }
0x44: {  	_ =	shalt  }
0x45: {  	_ =	shalt  }
0x46: {  	_ =	shalt  }
0x47: {  	_ =	shalt  }
0x48: {  	_ =	shalt  }
0x49: {  	_ =	shalt  }
0x4a: {  	_ =	shalt  }
0x4b: {  	_ =	shalt  }
0x4c: {  	_ =	shalt  }
0x4d: {  	_ =	shalt  }
0x4e: {  	_ =	shalt  }
0x4f: {  	_ =	shalt  }
0x50: {  	_ =	shalt  }
0x51: {  	_ =	shalt  }
0x52: {  	_ =	shalt  }
0x53: {  	_ =	shalt  }
0x54: {  	_ =	shalt  }
0x55: {  	_ =	shalt  }
0x56: {  	_ =	shalt  }
0x57: {  	_ =	shalt  }
0x58: {  	_ =	shalt  }
0x59: {  	_ =	shalt  }
0x5a: {  	_ =	shalt  }
0x5b: {  	_ =	shalt  }
0x5c: {  	_ =	shalt  }
0x5d: {  	_ =	shalt  }
0x5e: {  	_ =	shalt  }
0x5f: {  	_ =	shalt  }
0x60: {  	_ =	shalt  }
0x61: {  	_ =	shalt  }
0x62: {  	_ =	shalt  }
0x63: {  	_ =	shalt  }
0x64: {  	_ =	shalt  }
0x65: {  	_ =	shalt  }
0x66: {  	_ =	shalt  }
0x67: {  	_ =	shalt  }
0x68: {  	_ =	shalt  }
0x69: {  	_ =	shalt  }
0x6a: {  	_ =	shalt  }
0x6b: {  	_ =	shalt  }
0x6c: {  	_ =	shalt  }
0x6d: {  	_ =	shalt  }
0x6e: {  	_ =	shalt  }
0x6f: {  	_ =	shalt  }
0x70: {  	_ =	shalt  }
0x71: {  	_ =	shalt  }
0x72: {  	_ =	shalt  }
0x73: {  	_ =	shalt  }
0x74: {  	_ =	shalt  }
0x75: {  	_ =	shalt  }
0x76: {  	_ =	shalt  }
0x77: {  	_ =	shalt  }
0x78: {  	_ =	shalt  }
0x79: {  	_ =	shalt  }
0x7a: {  	_ =	shalt  }
0x7b: {  	_ =	shalt  }
0x7c: {  	_ =	shalt  }
0x7d: {  	_ =	shalt  }
0x7e: {  	_ =	shalt  }
0x7f: {  	_ =	shalt  }
0x80: {  	_ =	shalt  }
0x81: {  	_ =	shalt  }
0x82: {  	_ =	shalt  }
0x83: {  	_ =	shalt  }
0x84: {  	_ =	shalt  }
0x85: {  	_ =	shalt  }
0x86: {  	_ =	shalt  }
0x87: {  	_ =	shalt  }
.Lfunc_end0:
.L_simem_size_0:
called_computation.1_lowered:
.L_overlay_start_0:
0x88: {  	s2 =	sld [smem:$0x3FD9]  }
0x89: {  	s3 =	sld [smem:$0x3FFE];
	_ =	sdelay $0x1  }
0x8a: {  	s1 =	srdreg.scid  }
0x8b: {  	s0 =	sand.u32 $0x1, s1  }
0x8c: {  	s17 =	sshll.u32 s0, $0xA;
	s2 =	sadd.s32 s3, s2  }
0x8d: {  	s2 =	sadd.s32 s2, s17  }
0x8e: {  	[smem:$0x3FBC] =	sst s2  }
0x8f: {  	_ = 	snop  }
0x90: {  	s2 =	sld [smem:$0x3FD0];
	(tm) =	ssettm $0x1  }
0x91: {  	s18 =	sld [smem:$0x3FFB];
	_ =	sdelay $0x3  }
0x92: {  	_ =	strace s18  }
0x93: {  	s3 =	sld [smem:$0x3FFC];
	_ =	sdelay $0x3  }
0x94: {  	_ =	strace s3  }
0x95: {  	s3 =	sld [smem:$0x3FFD];
	_ =	sdelay $0x3  }
0x96: {  	_ =	strace s3  }
0x97: {  	_ =	strace $0x8FFFFFFF  }
0x98: {  	s19 =	sld [smem:$0x3FDB];
	_ =	sdelay $0x1  }
0x99: {  	s4 =	simm.s32 $_scs_section_size  }
0x9a: {  	s5 =	simm.s32 $_size__tile_overlayer_lowered;
	s6 =	simm.s32 $_tile_overlayer_lowered  }
0x9b: {  	s22 =	simm.s32 $0x1BFF;
	s21 =	sshll.u32 s6, $0x1;
	s3 =	sadd.s32 s4, s19  }
0x9c: {  	s7 =	simm.s32 $0x0;
	s20 =	sshll.u32 s5, $0x1;
	s5 =	sadd.s32 s21, s3  }
0x9d: {  	[timem:s7], [sflag:s22] =	dma.local [hbm:s5], s20  }
0x9e: {  	_ =	swait.ge [sflag:s22], s20  }
0x9f: {  	s4 =	ssub.s32 $0x0, s20;
	[sflag:s22] =	ssyncset.done $0x0  }
0xa0: {  	[sflag:s22] =	ssyncadd.s32 s4;
	_ =	sdelay $0x1  }
0xa1: {  	s23 =	simm.s32 $0x1B8B  }
0xa2: {  	_ =	swait.ge [sflag:s23], $0x1  }
0xa3: {  	[sflag:s23] =	ssyncset.done $0x0  }
0xa4: {  	s25 =	simm.s32 $0x1B8E;
	s24 =	sld [smem:$0x3FFE];
	[sflag:s23] =	ssyncadd.s32 $0xFFFFFFFF  }
0xa5: {  	s26 =	simm.s32 $execute0_lowered;
	[smem:$0x3FD2] =	sst s25  }
0xa6: {  	s5 =	sshll.u32 s26, $0x1;
	_ =	strace $0x80000049;
	[dreg:$0x1] =	wrdreg $0xFFFFFFFF  }
0xa7: {  	s28 =	simm.s32 $_size_execute0_lowered;
	s3 =	sadd.s32 s3, s5;
	[dreg:$0x0] =	wrdreg $0x0  }
0xa8: {  	s5 =	sshll.u32 s28, $0x1;
	[dreg:$0x2] =	wrdreg s3  }
0xa9: {  	[dreg:$0x3] =	wrdreg s5  }
0xaa: {  	[dreg:$0x4] =	wrdreg $0xC0  }
0xab: {  	_ =	task [dreg:s7], $0x5FFFF  }
0xac: {  	[dreg:$0x1] =	wrdreg $0xFFFFFFFF  }
0xad: {  	[dreg:$0x0] =	wrdreg $0x60  }
0xae: {  	[dreg:$0x2] =	wrdreg s24  }
0xaf: {  	[dreg:$0x3] =	wrdreg s2  }
0xb0: {  	[dreg:$0x4] =	wrdreg $0x82000  }
0xb1: {  	[dreg:$0x5] =	wrdreg $0x9  }
0xb2: {  	_ =	task.clear_ibuf [dreg:s7], $0x6FFFF;
	_ =	strace $0x90000049  }
0xb3: {  	s29 =	simm.s32 $0x9;
	_ =	strace $0x8000004B  }
0xb4: {  	_ =	swait.ge [sflag:s29], $0x1  }
0xb5: {  	[sflag:s29] =	ssyncadd.s32 $0xFFFFFFFF  }
0xb6: {  	_ =	strace $0x9000004B  }
0xb7: {  	_ =	sfence  }
0xb8: {  	s30 =	sld [smem:$0x0];
	_ =	sdelay $0x2  }
0xb9: {  	s31 =	sshll.u32 s1, $0xD;
	s1 =	sshrl.u32 s1, $0x2  }
0xba: {  	s3 =	sand.u32 $0x4000, s31;
	s1 =	sadd.s32 s1, s30  }
0xbb: {  	s0 =	sor.u32 s3, s0;
	s1 =	sshll.u32 s1, $0x11  }
0xbc: {  	s0 =	sor.u32 s1, s0  }
0xbd: {  	s0 =	sadd.s32 $0x8F2B, s0  }
0xbe: {  	[sflag:s0] =	ssyncadd.remote.s32 $0x1  }
0xbf: {  	_ =	sfence.sel $0xFFFF  }
0xc0: {  	[dreg:$0x0] =	wrdreg $0xFFFFFFFF;
	(pc) =	sbr.abs _section_cstart, $3  }
0xc1: {  	[dreg:$0x1] =	wrdreg $0xFFFFFFFF  }
0xc2: {  	_ =	task.clear_ibuf [dreg:s7], $0x2FFFF;
	_ =	strace $0x9FFFFFFF  }
0xc3: {  	(tm) =	ssettm $0x7FFFFFFF  }
tec
execute0_lowered:
.L_overlay_start_1:
0x0: {  	(tag) =	ssettag $0x1  }
0x1: {  	s5 =	rddreg [dreg:$0x0]  }
0x2: {  	s12 =	rddreg [dreg:$0x1]  }
0x3: {  	s2 =	rddreg [dreg:$0x2]  }
0x4: {  	s0 =	rddreg [dreg:$0x3];
	s3 =	simm.s32 $0x0  }
0x5: {  	s1 =	stileid.u32;
	s4 =	srdreg.scid;
	s16 =	simm.s32 $0x80  }
0x6: {  	s17 =	simm.s32 $0x180;
	s18 =	simm.s32 $0x200;
	s19 =	simm.s32 $0x4200  }
0x7: {  	s20 =	simm.s32 $0x1;
	s21 =	simm.s32 $0x2;
	s6 =	smul.u32 $0x14000, s1  }
0x8: {  	s22 =	simm.s32 $0x0;
	[smem:$0x7FF] =	sst s3;
	s10 =	smul.u32 $0x50000, s1  }
0x9: {  	s7 =	sand.u32 $0x1, s4;
	s4 =	sadd.s32 $0x18600, s5;
	s14 =	smul.u32 $0x2800, s1  }
0xa: {  	s11 =	sadd.s32 $0xE600, s5;
	s30 =	sshll.u32 s1, $0x6;
	s9 =	smul.u32 $0x140000, s7  }
0xb: {  	_ =	strace $0x8000004A;
	s26 =	ssub.s32 $0x2, s7;
	s7 =	smul.u32 $0x28000, s7  }
0xc: {  	s8 =	sshrl.u32 s6, $0x3;
	s13 =	sshrl.u32 s26, $0x1;
	s28 =	sshrl.u32 s10, $0x2  }
0xd: {  	s8 =	sadd.s32 s8, s5;
	s6 =	sadd.s32 s6, s9;
	s9 =	ssub.s32 s26, s13  }
0xe: {  	s29 =	sadd.s32 s28, s2;
	s14 =	sadd.s32 s14, s7;
	s6 =	sshrl.u32 s6, $0x3  }
0xf: {  	s31 =	sor.u32 $0x80, s14;
	s14 =	sshrl.u32 s14, $0x3;
	s13 =	sshrl.u32 s29, $0x3  }
0x10: {  	s15 =	sadd.s32 s6, s5;
	s5 =	sadd.s32 $0x3F800, s8;
	s6 =	sor.u32 $0x1C03, s30  }
0x11: {  	s8 =	smax.u32 s9, $0x1;
	s10 =	sshrl.u32 s31, $0x3;
	s7 =	sadd.s32 $0x67800, s15  }
0x12: {  	s9 =	sadd.s32 s10, s11;
	s10 =	sadd.s32 s10, s12;
	s11 =	sadd.s32 s14, s11  }
0x13: {  	s12 =	sadd.s32 s14, s12;
	s14 =	simm.s32 $0x3;
	s15 =	simm.s32 $0x100  }
.LBB2_1:
0x14: {  	[spmem:s13], [sflag:s6] =	dma.local [hbm:s5], $0x2800  }
0x15: {  	_ =	swait.ge [sflag:s14], $0x2800  }
0x16: {  	[sflag:s14] =	ssyncset.done $0x0  }
0x17: {  	[sflag:s14] =	ssyncadd.s32 $0xFFFFD800  }
0x18: {  	s23 =	sadd.s32 $0x0, s12;
	[bflag:$0x0] =	sbarrier.arrive $0xFFFF  }
0x19: {  	[tilespmem:s3], [sflag:$0x3] =	stream.linear.gather [hbm4b:s23+s3], $0x80, $0x38;
	[tilespmem:$0x1C200] =	vst v63  }
0x1a: {  	_ =	swait.ge [sflag:s14], $0x80  }
0x1b: {  	[sflag:s14] =	ssyncset.done $0x0  }
0x1c: {  	s29 =	sadd.s32 $0x0, s11;
	[sflag:s14] =	ssyncadd.s32 $0xFFFFFF80  }
0x1d: {  	[tilespmem:s15], [sflag:$0x3] =	stream.linear.gather [hbm4b:s29+s3], $0x80, $0x38;
	[tilespmem:$0x1C200] =	vst v63  }
0x1e: {  	_ =	swait.ge [sflag:s14], $0x80  }
0x1f: {  	[sflag:s14] =	ssyncset.done $0x0  }
0x20: {  	s30 =	sadd.s32 $0x0, s10;
	[sflag:s14] =	ssyncadd.s32 $0xFFFFFF80  }
0x21: {  	[tilespmem:s16], [sflag:$0x3] =	stream.linear.gather [hbm4b:s30+s3], $0x80, $0x38;
	[tilespmem:$0x1C200] =	vst v63  }
0x22: {  	_ =	swait.ge [sflag:s14], $0x80  }
0x23: {  	[sflag:s14] =	ssyncset.done $0x0  }
0x24: {  	s31 =	sadd.s32 $0x0, s9;
	[sflag:s14] =	ssyncadd.s32 $0xFFFFFF80  }
0x25: {  	[tilespmem:s17], [sflag:$0x3] =	stream.linear.gather [hbm4b:s31+s3], $0x80, $0x38;
	[tilespmem:$0x1C200] =	vst v63  }
0x26: {  	_ =	swait.ge [sflag:s14], $0x80  }
0x27: {  	[sflag:s14] =	ssyncset.done $0x0  }
0x28: {  	[sflag:s14] =	ssyncadd.s32 $0xFFFFFF80  }
0x29: {  	[tilespmem:s18], [sflag:$0x1] =	stream.indirect.gather [hbm4b:s4+s16], $0x80, s3, s16, $0xb8;
	[tilespmem:$0x1C200] =	vst v63  }
0x2a: {  	_ = 	snop  }
0x2b: {  	[tilespmem:s19], [sflag:$0x1] =	stream.indirect.gather [hbm4b:s4+s16], $0x80, s16, s16, $0xb8;
	[tilespmem:$0x1C200] =	vst v63  }
0x2c: {  	_ =	swait.ge [sflag:s20], $0x4000  }
0x2d: {  	[sflag:s20] =	ssyncset.done $0x0  }
0x2e: {  	[sflag:s20] =	ssyncadd.s32 $0xFFFFC000  }
0x2f: {  	[spmem:s2] =	stream.indirect.scatter.add.f32 [tilespmem:s18], [sflag:$0x2], $0x80, s15, s16, $0xb8;
	[tilespmem:$0x1C200] =	vst v63  }
0x30: {  	_ =	swait.ge [sflag:s20], $0x4000  }
0x31: {  	[sflag:s20] =	ssyncset.done $0x0  }
0x32: {  	[sflag:s20] =	ssyncadd.s32 $0xFFFFC000  }
0x33: {  	[spmem:s2] =	stream.indirect.scatter.add.f32 [tilespmem:s19], [sflag:$0x2], $0x80, s17, s16, $0xb8;
	[tilespmem:$0x1C200] =	vst v63  }
0x34: {  	_ =	swait.ge [sflag:s21], $0x4000  }
0x35: {  	[sflag:s21] =	ssyncset.done $0x0  }
0x36: {  	[sflag:s21] =	ssyncadd.s32 $0xFFFFC000  }
0x37: {  	_ =	swait.ge [sflag:s21], $0x4000  }
0x38: {  	s25 =	simm.s32 $0x40;
	s23 =	simm.s32 $0x20;
	[sflag:s21] =	ssyncset.done $0x0  }
.LBB2_2:
0x39: {  	s26 =	sadd.s32 s23, s12  }
0x3a: {  	[sflag:s21] =	ssyncadd.s32 $0xFFFFC000;
	s28 =	smov.u32 s25;
	s24 =	sadd.s32 $0x20, s25  }
0x3b: {  	[tilespmem:s3], [sflag:$0x3] =	stream.linear.gather [hbm4b:s26+s3], $0x80, $0x38;
	[tilespmem:$0x1C200] =	vst v63  }
0x3c: {  	p0 =	sne.s32 s25, $0x4E0;
	_ =	swait.ge [sflag:s14], $0x80  }
0x3d: {  	[sflag:s14] =	ssyncset.done $0x0  }
0x3e: {  	s25 =	sadd.s32 s23, s11;
	[sflag:s14] =	ssyncadd.s32 $0xFFFFFF80  }
0x3f: {  	[tilespmem:s15], [sflag:$0x3] =	stream.linear.gather [hbm4b:s25+s3], $0x80, $0x38;
	[tilespmem:$0x1C200] =	vst v63  }
0x40: {  	_ =	swait.ge [sflag:s14], $0x80  }
0x41: {  	[sflag:s14] =	ssyncset.done $0x0  }
0x42: {  	s25 =	sadd.s32 s23, s10;
	[sflag:s14] =	ssyncadd.s32 $0xFFFFFF80  }
0x43: {  	[tilespmem:s16], [sflag:$0x3] =	stream.linear.gather [hbm4b:s25+s3], $0x80, $0x38;
	[tilespmem:$0x1C200] =	vst v63  }
0x44: {  	_ =	swait.ge [sflag:s14], $0x80  }
0x45: {  	[sflag:s14] =	ssyncset.done $0x0  }
0x46: {  	s25 =	sadd.s32 s23, s9;
	s23 =	smov.u32 s28;
	[sflag:s14] =	ssyncadd.s32 $0xFFFFFF80  }
0x47: {  	[tilespmem:s17], [sflag:$0x3] =	stream.linear.gather [hbm4b:s25+s3], $0x80, $0x38;
	[tilespmem:$0x1C200] =	vst v63  }
0x48: {  	_ =	swait.ge [sflag:s14], $0x80  }
0x49: {  	[sflag:s14] =	ssyncset.done $0x0  }
0x4a: {  	[sflag:s14] =	ssyncadd.s32 $0xFFFFFF80  }
0x4b: {  	[tilespmem:s18], [sflag:$0x1] =	stream.indirect.gather [hbm4b:s4+s16], $0x80, s3, s16, $0xb8;
	[tilespmem:$0x1C200] =	vst v63  }
0x4c: {  	_ = 	snop  }
0x4d: {  	[tilespmem:s19], [sflag:$0x1] =	stream.indirect.gather [hbm4b:s4+s16], $0x80, s16, s16, $0xb8;
	[tilespmem:$0x1C200] =	vst v63  }
0x4e: {  	_ =	swait.ge [sflag:s20], $0x4000  }
0x4f: {  	[sflag:s20] =	ssyncset.done $0x0  }
0x50: {  	[sflag:s20] =	ssyncadd.s32 $0xFFFFC000  }
0x51: {  	[spmem:s2] =	stream.indirect.scatter.add.f32 [tilespmem:s18], [sflag:$0x2], $0x80, s15, s16, $0xb8;
	[tilespmem:$0x1C200] =	vst v63  }
0x52: {  	_ =	swait.ge [sflag:s20], $0x4000  }
0x53: {  	[sflag:s20] =	ssyncset.done $0x0  }
0x54: {  	[sflag:s20] =	ssyncadd.s32 $0xFFFFC000  }
0x55: {  	[spmem:s2] =	stream.indirect.scatter.add.f32 [tilespmem:s19], [sflag:$0x2], $0x80, s17, s16, $0xb8;
	[tilespmem:$0x1C200] =	vst v63  }
.Ltmp0:
0x56: {  	_ =	swait.ge [sflag:s21], $0x4000;
	(pc) =	sbr.rel @p0 .LBB2_2-.Ltmp0, $4  }
0x57: {  	[sflag:s21] =	ssyncset.done $0x0  }
0x58: {  	[sflag:s21] =	ssyncadd.s32 $0xFFFFC000  }
0x59: {  	_ =	swait.ge [sflag:s21], $0x4000  }
0x5a: {  	s25 =	smov.u32 s24;
	[sflag:s21] =	ssyncset.done $0x0  }
0x5b: {  	s24 =	sadd.s32 s23, s12;
	[sflag:s21] =	ssyncadd.s32 $0xFFFFC000  }
0x5c: {  	[tilespmem:s3], [sflag:$0x3] =	stream.linear.gather [hbm4b:s24+s3], $0x80, $0x38;
	[tilespmem:$0x1C200] =	vst v63  }
0x5d: {  	_ =	swait.ge [sflag:s14], $0x80  }
0x5e: {  	[sflag:s14] =	ssyncset.done $0x0  }
0x5f: {  	s29 =	sadd.s32 s23, s11;
	[sflag:s14] =	ssyncadd.s32 $0xFFFFFF80  }
0x60: {  	[tilespmem:s15], [sflag:$0x3] =	stream.linear.gather [hbm4b:s29+s3], $0x80, $0x38;
	[tilespmem:$0x1C200] =	vst v63  }
0x61: {  	_ =	swait.ge [sflag:s14], $0x80  }
0x62: {  	[sflag:s14] =	ssyncset.done $0x0  }
0x63: {  	s30 =	sadd.s32 s23, s10;
	[sflag:s14] =	ssyncadd.s32 $0xFFFFFF80  }
0x64: {  	[tilespmem:s16], [sflag:$0x3] =	stream.linear.gather [hbm4b:s30+s3], $0x80, $0x38;
	[tilespmem:$0x1C200] =	vst v63  }
0x65: {  	_ =	swait.ge [sflag:s14], $0x80  }
0x66: {  	[sflag:s14] =	ssyncset.done $0x0  }
0x67: {  	s31 =	sadd.s32 s23, s9;
	[sflag:s14] =	ssyncadd.s32 $0xFFFFFF80  }
0x68: {  	[tilespmem:s17], [sflag:$0x3] =	stream.linear.gather [hbm4b:s31+s3], $0x80, $0x38;
	[tilespmem:$0x1C200] =	vst v63  }
0x69: {  	_ =	swait.ge [sflag:s14], $0x80  }
0x6a: {  	[sflag:s14] =	ssyncset.done $0x0  }
0x6b: {  	[sflag:s14] =	ssyncadd.s32 $0xFFFFFF80  }
0x6c: {  	[tilespmem:s18], [sflag:$0x1] =	stream.indirect.gather [hbm4b:s4+s16], $0x80, s3, s16, $0xb8;
	[tilespmem:$0x1C200] =	vst v63  }
0x6d: {  	_ = 	snop  }
0x6e: {  	[tilespmem:s19], [sflag:$0x1] =	stream.indirect.gather [hbm4b:s4+s16], $0x80, s16, s16, $0xb8;
	[tilespmem:$0x1C200] =	vst v63  }
0x6f: {  	_ =	swait.ge [sflag:s20], $0x4000  }
0x70: {  	[sflag:s20] =	ssyncset.done $0x0  }
0x71: {  	[sflag:s20] =	ssyncadd.s32 $0xFFFFC000  }
0x72: {  	[spmem:s2] =	stream.indirect.scatter.add.f32 [tilespmem:s18], [sflag:$0x2], $0x80, s15, s16, $0xb8;
	[tilespmem:$0x1C200] =	vst v63  }
0x73: {  	_ =	swait.ge [sflag:s20], $0x4000  }
0x74: {  	[sflag:s20] =	ssyncset.done $0x0  }
0x75: {  	[sflag:s20] =	ssyncadd.s32 $0xFFFFC000  }
0x76: {  	[spmem:s2] =	stream.indirect.scatter.add.f32 [tilespmem:s19], [sflag:$0x2], $0x80, s17, s16, $0xb8;
	[tilespmem:$0x1C200] =	vst v63  }
0x77: {  	_ =	swait.ge [sflag:s21], $0x4000  }
0x78: {  	[sflag:s21] =	ssyncset.done $0x0  }
0x79: {  	[sflag:s21] =	ssyncadd.s32 $0xFFFFC000  }
0x7a: {  	_ =	swait.ge [sflag:s21], $0x4000  }
0x7b: {  	s22 =	sadd.s32 $0x1, s22;
	[sflag:s21] =	ssyncset.done $0x0  }
0x7c: {  	p0 =	sne.s32 s22, s8;
	[sflag:s21] =	ssyncadd.s32 $0xFFFFC000  }
.Ltmp1:
0x7d: {  	[bflag:$0x0] =	sbarrier.arrive $0xFFFF;
	(pc) =	sbr.rel @p0 .LBB2_1-.Ltmp1, $4  }
0x7e: {  	[hbm:s7], [sflag:s6] =	dma.local [spmem:s13], $0x2800  }
0x7f: {  	_ =	swait.ge [sflag:s14], $0x2800  }
0x80: {  	[sflag:s14] =	ssyncset.done $0x0  }
0x81: {  	[sflag:s14] =	ssyncadd.s32 $0xFFFFD800  }
0x82: {  	_ =	sfence.sel $0x180000  }
0x83: {  	[bflag:$0x0] =	sbarrier.arrive $0xFFFF  }
0x84: {  	p0 =	sne.s32 s1, $0x0;
	_ =	strace $0x9000004A  }
0x85: {  	s0 =	sadd.s32 @!p0 $0x100000, s0;
	[bflag:$0x2] =	sbarrier.arrive $0xFFFF  }
0x86: {  	[sflag:s0] =	ssyncadd.tile.s32 @!p0 $0x1;
	_ =	shalt  }
.Lfunc_end2:
_tile_overlayer_lowered:
.L_overlay_start_2:
0x87: {  	(tag) =	ssettag $0x2  }
0x88: {  	s0 =	rddreg [dreg:$0x0];
	s2 =	stileid.u32  }
0x89: {  	s1 =	rddreg [dreg:$0x1];
	p0 =	sne.s32 s2, $0x0  }
0x8a: {  	s3 =	rddreg [dreg:$0x2];
	[bflag:$0x3] =	sbarrier.arrive $0xFFFF;
	s2 =	simm.s32 @!p0 $0x1C03  }
0x8b: {  	[timem:s3], [sflag:s2] =	dma.local @!p0 [hbm:s0], s1  }
0x8c: {  	s0 =	simm.s32 @!p0 $0x3  }
0x8d: {  	_ =	swait.ge @!p0 [sflag:s0], s1  }
0x8e: {  	s1 =	ssub.s32 @!p0 $0x0, s1;
	[sflag:s0] =	ssyncset.done @!p0 $0x0  }
0x8f: {  	[sflag:s0] =	ssyncadd.s32 @!p0 s1  }
0x90: {  	[bflag:$0x3] =	sbarrier.arrive $0xFFFF  }
0x91: {  	_ =	shalt  }

// kernel: kernel.16.cloned.1.call-start
scs
__scs_entry_jumppad:
0x0: {  	(pc) =	sbr.rel $0x88, $3  }
0x1: {  	(tag) =	ssettag $0x0;
	lr =	simm.s32 $0x1  }
0x2: {  	[smem:$0x3F95] =	sst lr;
	_ =	strace $0xD0000000  }
0x3: {  	_ = 	snop  }
0x4: {  	_ = 	snop  }
0x5: {  	_ = 	snop  }
0x6: {  	_ = 	snop  }
0x7: {  	_ = 	snop  }
__scs_overlays_trampoline_lowered:
0x8: {  	[smem:$0x3FA4] =	sst s0  }
0x9: {  	[smem:$0x3FA5] =	sst s1  }
0xa: {  	[smem:$0x3FA6] =	sst s2  }
0xb: {  	[smem:$0x3FA7] =	sst s3  }
0xc: {  	[smem:$0x3FA8] =	sst s4  }
0xd: {  	[smem:$0x3FA9] =	sst s5  }
0xe: {  	[smem:$0x3FAA] =	sst s6  }
0xf: {  	[smem:$0x3FAB] =	sst s7  }
0x10: {  	[smem:$0x3FAC] =	sst s8  }
0x11: {  	[smem:$0x3FAD] =	sst s9;
	s0 =	simm.s32 @!p0 $0x0  }
0x12: {  	s1 =	sld [smem:$0x3F93];
	s0 =	simm.s32 @p0 $0x1  }
0x13: {  	[smem:$0x3FAE] =	sst s0;
	s0 =	simm.s32 @!p1 $0x0  }
0x14: {  	s2 =	sld [smem:$0x3F92];
	s0 =	simm.s32 @p1 $0x1  }
0x15: {  	[smem:$0x3FAF] =	sst s0;
	s0 =	simm.s32 @!p2 $0x0  }
0x16: {  	s3 =	sld [smem:$0x3FDB];
	s0 =	simm.s32 @p2 $0x1  }
0x17: {  	s4 =	simm.s32 $0x1BF5;
	[smem:$0x3FB1] =	sst s0  }
0x18: {  	s0 =	sld [smem:$0x3F94];
	_ =	swait.ge [sflag:s4], $0x0  }
0x19: {  	s7 =	sld [smem:$0x3F95]  }
0x1a: {  	s8 =	sadd.s32 $0xFFFFE003, lr  }
0x1b: {  	s9 =	sadd.s32 $0xFFFFFEF7, lr;
	s5 =	simm.s32 $0xFFFFFFFF;
	p2 =	slt.u32 s8, $0xFFFFF086  }
0x1c: {  	p1 =	slt.u32 s9, $0xF7A;
	s5 =	simm.s32 @!p2 $0x0  }
0x1d: {  	s5 =	simm.s32 @p1 $0x1;
	p0 =	seq.s32 s7, s2  }
0x1e: {  	s7 =	smul.u32 @!p0 $0xF7A, s2;
	p2 =	seq.s32 @!p0 s5, $0x0  }
0x1f: {  	s9 =	smul.u32 $0xF7A, s1;
	s8 =	simm.s32 @!p0 $0x1BF5;
	p2 =	por !p2, p0  }
0x20: {  	[sflag:s8] =	ssyncset.s32 @!p0 $0xFFFFF086;
	s6 =	sadd.s32 @!p0 s3, s7;
	s7 =	simm.s32 @!p0 $0x108  }
0x21: {  	s3 =	sadd.s32 s3, s9;
	s6 =	sadd.s32 @!p0 $0x88, s6;
	s7 =	simm.s32 @p2 $0x1082  }
0x22: {  	[simem:s7], [sflag:s8] =	dma.local @!p0 [hbm:s6], $0xF7A  }
0x23: {  	s9 =	sor.u32 $0xD0000000, s2;
	s6 =	simm.s32 $0x108;
	_ =	swait.ge @!p0 [sflag:s8], $0x0  }
0x24: {  	s3 =	sadd.s32 $0x88, s3;
	s6 =	simm.s32 @!p1 $0x1082;
	[sflag:s4] =	ssyncset.s32 $0xFFFFF086  }
0x25: {  	[simem:s6], [sflag:s4] =	dma.local [hbm:s3], $0xF7A  }
0x26: {  	[smem:$0x3F95] =	sst s1;
	(tag) =	ssettag s2;
	_ =	strace s9  }
0x27: {  	s1 =	sld [smem:$0x3FA5]  }
0x28: {  	s2 =	sld [smem:$0x3FA6]  }
0x29: {  	s4 =	sld [smem:$0x3FA8]  }
0x2a: {  	p0 =	seq.s32 s5, $0x0;
	s5 =	sld [smem:$0x3FA9]  }
0x2b: {  	s6 =	sld [smem:$0x3FAA]  }
0x2c: {  	s7 =	sld [smem:$0x3FAB]  }
0x2d: {  	s3 =	simm.s32 $0x108;
	s8 =	sld [smem:$0x3FAC]  }
0x2e: {  	s3 =	simm.s32 @!p0 $0x1082;
	s9 =	sld [smem:$0x3FAD]  }
0x2f: {  	lr =	sadd.s32 s0, s3;
	s0 =	sld [smem:$0x3FA4]  }
0x30: {  	s3 =	sld [smem:$0x3FA7]  }
0x31: {  	[smem:$0x3FB0] =	sst s10  }
0x32: {  	s10 =	sld [smem:$0x3FAE];
	_ =	sdelay $0x3  }
0x33: {  	p0 =	seq.s32 s10, $0x1;
	s10 =	sld [smem:$0x3FB0];
	_ =	sdelay $0x3  }
0x34: {  	[smem:$0x3FB0] =	sst s10  }
0x35: {  	s10 =	sld [smem:$0x3FAF];
	_ =	sdelay $0x3  }
0x36: {  	p1 =	seq.s32 s10, $0x1;
	s10 =	sld [smem:$0x3FB0];
	_ =	sdelay $0x3  }
0x37: {  	[smem:$0x3FB0] =	sst s10  }
0x38: {  	s10 =	sld [smem:$0x3FB1]  }
0x39: {  	_ = 	snop;
	(pc) =	sbr.ind lr, $3  }
0x3a: {  	_ = 	snop  }
0x3b: {  	_ = 	snop  }
0x3c: {  	p2 =	seq.s32 s10, $0x1;
	s10 =	sld [smem:$0x3FB0]  }
0x3d: {  	_ =	shalt  }
0x3e: {  	_ =	shalt  }
0x3f: {  	_ =	shalt  }
0x40: {  	_ =	shalt  }
0x41: {  	_ =	shalt  }
0x42: {  	_ =	shalt  }
0x43: {  	_ =	shalt  }
0x44: {  	_ =	shalt  }
0x45: {  	_ =	shalt  }
0x46: {  	_ =	shalt  }
0x47: {  	_ =	shalt  }
0x48: {  	_ =	shalt  }
0x49: {  	_ =	shalt  }
0x4a: {  	_ =	shalt  }
0x4b: {  	_ =	shalt  }
0x4c: {  	_ =	shalt  }
0x4d: {  	_ =	shalt  }
0x4e: {  	_ =	shalt  }
0x4f: {  	_ =	shalt  }
0x50: {  	_ =	shalt  }
0x51: {  	_ =	shalt  }
0x52: {  	_ =	shalt  }
0x53: {  	_ =	shalt  }
0x54: {  	_ =	shalt  }
0x55: {  	_ =	shalt  }
0x56: {  	_ =	shalt  }
0x57: {  	_ =	shalt  }
0x58: {  	_ =	shalt  }
0x59: {  	_ =	shalt  }
0x5a: {  	_ =	shalt  }
0x5b: {  	_ =	shalt  }
0x5c: {  	_ =	shalt  }
0x5d: {  	_ =	shalt  }
0x5e: {  	_ =	shalt  }
0x5f: {  	_ =	shalt  }
0x60: {  	_ =	shalt  }
0x61: {  	_ =	shalt  }
0x62: {  	_ =	shalt  }
0x63: {  	_ =	shalt  }
0x64: {  	_ =	shalt  }
0x65: {  	_ =	shalt  }
0x66: {  	_ =	shalt  }
0x67: {  	_ =	shalt  }
0x68: {  	_ =	shalt  }
0x69: {  	_ =	shalt  }
0x6a: {  	_ =	shalt  }
0x6b: {  	_ =	shalt  }
0x6c: {  	_ =	shalt  }
0x6d: {  	_ =	shalt  }
0x6e: {  	_ =	shalt  }
0x6f: {  	_ =	shalt  }
0x70: {  	_ =	shalt  }
0x71: {  	_ =	shalt  }
0x72: {  	_ =	shalt  }
0x73: {  	_ =	shalt  }
0x74: {  	_ =	shalt  }
0x75: {  	_ =	shalt  }
0x76: {  	_ =	shalt  }
0x77: {  	_ =	shalt  }
0x78: {  	_ =	shalt  }
0x79: {  	_ =	shalt  }
0x7a: {  	_ =	shalt  }
0x7b: {  	_ =	shalt  }
0x7c: {  	_ =	shalt  }
0x7d: {  	_ =	shalt  }
0x7e: {  	_ =	shalt  }
0x7f: {  	_ =	shalt  }
0x80: {  	_ =	shalt  }
0x81: {  	_ =	shalt  }
0x82: {  	_ =	shalt  }
0x83: {  	_ =	shalt  }
0x84: {  	_ =	shalt  }
0x85: {  	_ =	shalt  }
0x86: {  	_ =	shalt  }
0x87: {  	_ =	shalt  }
.Lfunc_end0:
.L_simem_size_0:
called_computation.2_lowered:
.L_overlay_start_0:
0x88: {  	s2 =	sld [smem:$0x3FD9]  }
0x89: {  	s3 =	sld [smem:$0x3FFE];
	_ =	sdelay $0x1  }
0x8a: {  	s1 =	srdreg.scid  }
0x8b: {  	s0 =	sand.u32 $0x1, s1  }
0x8c: {  	s17 =	sshll.u32 s0, $0xA;
	s2 =	sadd.s32 s3, s2  }
0x8d: {  	s2 =	sadd.s32 s2, s17  }
0x8e: {  	[smem:$0x3FBC] =	sst s2  }
0x8f: {  	_ = 	snop  }
0x90: {  	s2 =	sld [smem:$0x3FD0];
	(tm) =	ssettm $0x1  }
0x91: {  	s18 =	sld [smem:$0x3FFB];
	_ =	sdelay $0x3  }
0x92: {  	_ =	strace s18  }
0x93: {  	s3 =	sld [smem:$0x3FFC];
	_ =	sdelay $0x3  }
0x94: {  	_ =	strace s3  }
0x95: {  	s3 =	sld [smem:$0x3FFD];
	_ =	sdelay $0x3  }
0x96: {  	_ =	strace s3  }
0x97: {  	_ =	strace $0x8FFFFFFF  }
0x98: {  	s19 =	sld [smem:$0x3FDB];
	_ =	sdelay $0x1  }
0x99: {  	s4 =	simm.s32 $_scs_section_size  }
0x9a: {  	s5 =	simm.s32 $_size__tile_overlayer_lowered;
	s6 =	simm.s32 $_tile_overlayer_lowered  }
0x9b: {  	s22 =	simm.s32 $0x1BFF;
	s21 =	sshll.u32 s6, $0x1;
	s3 =	sadd.s32 s4, s19  }
0x9c: {  	s7 =	simm.s32 $0x0;
	s20 =	sshll.u32 s5, $0x1;
	s5 =	sadd.s32 s21, s3  }
0x9d: {  	[timem:s7], [sflag:s22] =	dma.local [hbm:s5], s20  }
0x9e: {  	_ =	swait.ge [sflag:s22], s20  }
0x9f: {  	s4 =	ssub.s32 $0x0, s20;
	[sflag:s22] =	ssyncset.done $0x0  }
0xa0: {  	[sflag:s22] =	ssyncadd.s32 s4;
	_ =	sdelay $0x1  }
0xa1: {  	s23 =	simm.s32 $0x1B8B  }
0xa2: {  	_ =	swait.ge [sflag:s23], $0x1  }
0xa3: {  	[sflag:s23] =	ssyncset.done $0x0  }
0xa4: {  	s25 =	simm.s32 $0x1B8E;
	s24 =	sld [smem:$0x3FFE];
	[sflag:s23] =	ssyncadd.s32 $0xFFFFFFFF  }
0xa5: {  	s26 =	simm.s32 $execute0_lowered;
	[smem:$0x3FD2] =	sst s25  }
0xa6: {  	s5 =	sshll.u32 s26, $0x1;
	_ =	strace $0x8000004C;
	[dreg:$0x1] =	wrdreg $0xFFFFFFFF  }
0xa7: {  	s28 =	simm.s32 $_size_execute0_lowered;
	s3 =	sadd.s32 s3, s5;
	[dreg:$0x0] =	wrdreg $0x0  }
0xa8: {  	s5 =	sshll.u32 s28, $0x1;
	[dreg:$0x2] =	wrdreg s3  }
0xa9: {  	[dreg:$0x3] =	wrdreg s5  }
0xaa: {  	[dreg:$0x4] =	wrdreg $0xC0  }
0xab: {  	_ =	task [dreg:s7], $0x5FFFF  }
0xac: {  	[dreg:$0x1] =	wrdreg $0xFFFFFFFF  }
0xad: {  	[dreg:$0x0] =	wrdreg $0x60  }
0xae: {  	[dreg:$0x2] =	wrdreg s24  }
0xaf: {  	[dreg:$0x3] =	wrdreg s2  }
0xb0: {  	[dreg:$0x4] =	wrdreg $0x82000  }
0xb1: {  	[dreg:$0x5] =	wrdreg $0x9  }
0xb2: {  	_ =	task.clear_ibuf [dreg:s7], $0x6FFFF;
	_ =	strace $0x9000004C  }
0xb3: {  	s29 =	simm.s32 $0x9;
	_ =	strace $0x8000004E  }
0xb4: {  	_ =	swait.ge [sflag:s29], $0x1  }
0xb5: {  	[sflag:s29] =	ssyncadd.s32 $0xFFFFFFFF  }
0xb6: {  	_ =	strace $0x9000004E  }
0xb7: {  	_ =	sfence  }
0xb8: {  	s30 =	sld [smem:$0x0];
	_ =	sdelay $0x2  }
0xb9: {  	s31 =	sshll.u32 s1, $0xD;
	s1 =	sshrl.u32 s1, $0x2  }
0xba: {  	s3 =	sand.u32 $0x4000, s31;
	s1 =	sadd.s32 s1, s30  }
0xbb: {  	s0 =	sor.u32 s3, s0;
	s1 =	sshll.u32 s1, $0x11  }
0xbc: {  	s0 =	sor.u32 s1, s0  }
0xbd: {  	s0 =	sadd.s32 $0x8F2B, s0  }
0xbe: {  	[sflag:s0] =	ssyncadd.remote.s32 $0x1  }
0xbf: {  	_ =	sfence.sel $0xFFFF  }
0xc0: {  	[dreg:$0x0] =	wrdreg $0xFFFFFFFF;
	(pc) =	sbr.abs _section_cstart, $3  }
0xc1: {  	[dreg:$0x1] =	wrdreg $0xFFFFFFFF  }
0xc2: {  	_ =	task.clear_ibuf [dreg:s7], $0x2FFFF;
	_ =	strace $0x9FFFFFFF  }
0xc3: {  	(tm) =	ssettm $0x7FFFFFFF  }
tec
execute0_lowered:
.L_overlay_start_1:
0x0: {  	(tag) =	ssettag $0x1  }
0x1: {  	s5 =	rddreg [dreg:$0x0]  }
0x2: {  	s12 =	rddreg [dreg:$0x1]  }
0x3: {  	s2 =	rddreg [dreg:$0x2]  }
0x4: {  	s0 =	rddreg [dreg:$0x3];
	s3 =	simm.s32 $0x0  }
0x5: {  	s1 =	stileid.u32;
	s4 =	srdreg.scid;
	s16 =	simm.s32 $0x80  }
0x6: {  	s17 =	simm.s32 $0x180;
	s18 =	simm.s32 $0x200;
	s19 =	simm.s32 $0x4200  }
0x7: {  	s20 =	simm.s32 $0x1;
	s21 =	simm.s32 $0x2;
	s6 =	smul.u32 $0x14000, s1  }
0x8: {  	s22 =	simm.s32 $0x0;
	[smem:$0x7FF] =	sst s3;
	s10 =	smul.u32 $0x50000, s1  }
0x9: {  	s7 =	sand.u32 $0x1, s4;
	s4 =	sadd.s32 $0x18600, s5;
	s14 =	smul.u32 $0x2800, s1  }
0xa: {  	s11 =	sadd.s32 $0xE600, s5;
	s30 =	sshll.u32 s1, $0x6;
	s9 =	smul.u32 $0x140000, s7  }
0xb: {  	_ =	strace $0x8000004D;
	s26 =	ssub.s32 $0x2, s7;
	s7 =	smul.u32 $0x28000, s7  }
0xc: {  	s8 =	sshrl.u32 s6, $0x3;
	s13 =	sshrl.u32 s26, $0x1;
	s28 =	sshrl.u32 s10, $0x2  }
0xd: {  	s8 =	sadd.s32 s8, s5;
	s6 =	sadd.s32 s6, s9;
	s9 =	ssub.s32 s26, s13  }
0xe: {  	s29 =	sadd.s32 s28, s2;
	s14 =	sadd.s32 s14, s7;
	s6 =	sshrl.u32 s6, $0x3  }
0xf: {  	s31 =	sor.u32 $0x80, s14;
	s14 =	sshrl.u32 s14, $0x3;
	s13 =	sshrl.u32 s29, $0x3  }
0x10: {  	s15 =	sadd.s32 s6, s5;
	s5 =	sadd.s32 $0x3F800, s8;
	s6 =	sor.u32 $0x1C03, s30  }
0x11: {  	s8 =	smax.u32 s9, $0x1;
	s10 =	sshrl.u32 s31, $0x3;
	s7 =	sadd.s32 $0x67800, s15  }
0x12: {  	s9 =	sadd.s32 s10, s11;
	s10 =	sadd.s32 s10, s12;
	s11 =	sadd.s32 s14, s11  }
0x13: {  	s12 =	sadd.s32 s14, s12;
	s14 =	simm.s32 $0x3;
	s15 =	simm.s32 $0x100  }
.LBB2_1:
0x14: {  	[spmem:s13], [sflag:s6] =	dma.local [hbm:s5], $0x2800  }
0x15: {  	_ =	swait.ge [sflag:s14], $0x2800  }
0x16: {  	[sflag:s14] =	ssyncset.done $0x0  }
0x17: {  	[sflag:s14] =	ssyncadd.s32 $0xFFFFD800  }
0x18: {  	s23 =	sadd.s32 $0x0, s12;
	[bflag:$0x0] =	sbarrier.arrive $0xFFFF  }
0x19: {  	[tilespmem:s3], [sflag:$0x3] =	stream.linear.gather [hbm4b:s23+s3], $0x80, $0x38;
	[tilespmem:$0x1C200] =	vst v63  }
0x1a: {  	_ =	swait.ge [sflag:s14], $0x80  }
0x1b: {  	[sflag:s14] =	ssyncset.done $0x0  }
0x1c: {  	s29 =	sadd.s32 $0x0, s11;
	[sflag:s14] =	ssyncadd.s32 $0xFFFFFF80  }
0x1d: {  	[tilespmem:s15], [sflag:$0x3] =	stream.linear.gather [hbm4b:s29+s3], $0x80, $0x38;
	[tilespmem:$0x1C200] =	vst v63  }
0x1e: {  	_ =	swait.ge [sflag:s14], $0x80  }
0x1f: {  	[sflag:s14] =	ssyncset.done $0x0  }
0x20: {  	s30 =	sadd.s32 $0x0, s10;
	[sflag:s14] =	ssyncadd.s32 $0xFFFFFF80  }
0x21: {  	[tilespmem:s16], [sflag:$0x3] =	stream.linear.gather [hbm4b:s30+s3], $0x80, $0x38;
	[tilespmem:$0x1C200] =	vst v63  }
0x22: {  	_ =	swait.ge [sflag:s14], $0x80  }
0x23: {  	[sflag:s14] =	ssyncset.done $0x0  }
0x24: {  	s31 =	sadd.s32 $0x0, s9;
	[sflag:s14] =	ssyncadd.s32 $0xFFFFFF80  }
0x25: {  	[tilespmem:s17], [sflag:$0x3] =	stream.linear.gather [hbm4b:s31+s3], $0x80, $0x38;
	[tilespmem:$0x1C200] =	vst v63  }
0x26: {  	_ =	swait.ge [sflag:s14], $0x80  }
0x27: {  	[sflag:s14] =	ssyncset.done $0x0  }
0x28: {  	[sflag:s14] =	ssyncadd.s32 $0xFFFFFF80  }
0x29: {  	[tilespmem:s18], [sflag:$0x1] =	stream.indirect.gather [hbm4b:s4+s16], $0x80, s3, s16, $0xb8;
	[tilespmem:$0x1C200] =	vst v63  }
0x2a: {  	_ = 	snop  }
0x2b: {  	[tilespmem:s19], [sflag:$0x1] =	stream.indirect.gather [hbm4b:s4+s16], $0x80, s16, s16, $0xb8;
	[tilespmem:$0x1C200] =	vst v63  }
0x2c: {  	_ =	swait.ge [sflag:s20], $0x4000  }
0x2d: {  	[sflag:s20] =	ssyncset.done $0x0  }
0x2e: {  	[sflag:s20] =	ssyncadd.s32 $0xFFFFC000  }
0x2f: {  	[spmem:s2] =	stream.indirect.scatter.add.f32 [tilespmem:s18], [sflag:$0x2], $0x80, s15, s16, $0xb8;
	[tilespmem:$0x1C200] =	vst v63  }
0x30: {  	_ =	swait.ge [sflag:s20], $0x4000  }
0x31: {  	[sflag:s20] =	ssyncset.done $0x0  }
0x32: {  	[sflag:s20] =	ssyncadd.s32 $0xFFFFC000  }
0x33: {  	[spmem:s2] =	stream.indirect.scatter.add.f32 [tilespmem:s19], [sflag:$0x2], $0x80, s17, s16, $0xb8;
	[tilespmem:$0x1C200] =	vst v63  }
0x34: {  	_ =	swait.ge [sflag:s21], $0x4000  }
0x35: {  	[sflag:s21] =	ssyncset.done $0x0  }
0x36: {  	[sflag:s21] =	ssyncadd.s32 $0xFFFFC000  }
0x37: {  	_ =	swait.ge [sflag:s21], $0x4000  }
0x38: {  	s25 =	simm.s32 $0x40;
	s23 =	simm.s32 $0x20;
	[sflag:s21] =	ssyncset.done $0x0  }
.LBB2_2:
0x39: {  	s26 =	sadd.s32 s23, s12  }
0x3a: {  	[sflag:s21] =	ssyncadd.s32 $0xFFFFC000;
	s28 =	smov.u32 s25;
	s24 =	sadd.s32 $0x20, s25  }
0x3b: {  	[tilespmem:s3], [sflag:$0x3] =	stream.linear.gather [hbm4b:s26+s3], $0x80, $0x38;
	[tilespmem:$0x1C200] =	vst v63  }
0x3c: {  	p0 =	sne.s32 s25, $0x4E0;
	_ =	swait.ge [sflag:s14], $0x80  }
0x3d: {  	[sflag:s14] =	ssyncset.done $0x0  }
0x3e: {  	s25 =	sadd.s32 s23, s11;
	[sflag:s14] =	ssyncadd.s32 $0xFFFFFF80  }
0x3f: {  	[tilespmem:s15], [sflag:$0x3] =	stream.linear.gather [hbm4b:s25+s3], $0x80, $0x38;
	[tilespmem:$0x1C200] =	vst v63  }
0x40: {  	_ =	swait.ge [sflag:s14], $0x80  }
0x41: {  	[sflag:s14] =	ssyncset.done $0x0  }
0x42: {  	s25 =	sadd.s32 s23, s10;
	[sflag:s14] =	ssyncadd.s32 $0xFFFFFF80  }
0x43: {  	[tilespmem:s16], [sflag:$0x3] =	stream.linear.gather [hbm4b:s25+s3], $0x80, $0x38;
	[tilespmem:$0x1C200] =	vst v63  }
0x44: {  	_ =	swait.ge [sflag:s14], $0x80  }
0x45: {  	[sflag:s14] =	ssyncset.done $0x0  }
0x46: {  	s25 =	sadd.s32 s23, s9;
	s23 =	smov.u32 s28;
	[sflag:s14] =	ssyncadd.s32 $0xFFFFFF80  }
0x47: {  	[tilespmem:s17], [sflag:$0x3] =	stream.linear.gather [hbm4b:s25+s3], $0x80, $0x38;
	[tilespmem:$0x1C200] =	vst v63  }
0x48: {  	_ =	swait.ge [sflag:s14], $0x80  }
0x49: {  	[sflag:s14] =	ssyncset.done $0x0  }
0x4a: {  	[sflag:s14] =	ssyncadd.s32 $0xFFFFFF80  }
0x4b: {  	[tilespmem:s18], [sflag:$0x1] =	stream.indirect.gather [hbm4b:s4+s16], $0x80, s3, s16, $0xb8;
	[tilespmem:$0x1C200] =	vst v63  }
0x4c: {  	_ = 	snop  }
0x4d: {  	[tilespmem:s19], [sflag:$0x1] =	stream.indirect.gather [hbm4b:s4+s16], $0x80, s16, s16, $0xb8;
	[tilespmem:$0x1C200] =	vst v63  }
0x4e: {  	_ =	swait.ge [sflag:s20], $0x4000  }
0x4f: {  	[sflag:s20] =	ssyncset.done $0x0  }
0x50: {  	[sflag:s20] =	ssyncadd.s32 $0xFFFFC000  }
0x51: {  	[spmem:s2] =	stream.indirect.scatter.add.f32 [tilespmem:s18], [sflag:$0x2], $0x80, s15, s16, $0xb8;
	[tilespmem:$0x1C200] =	vst v63  }
0x52: {  	_ =	swait.ge [sflag:s20], $0x4000  }
0x53: {  	[sflag:s20] =	ssyncset.done $0x0  }
0x54: {  	[sflag:s20] =	ssyncadd.s32 $0xFFFFC000  }
0x55: {  	[spmem:s2] =	stream.indirect.scatter.add.f32 [tilespmem:s19], [sflag:$0x2], $0x80, s17, s16, $0xb8;
	[tilespmem:$0x1C200] =	vst v63  }
.Ltmp0:
0x56: {  	_ =	swait.ge [sflag:s21], $0x4000;
	(pc) =	sbr.rel @p0 .LBB2_2-.Ltmp0, $4  }
0x57: {  	[sflag:s21] =	ssyncset.done $0x0  }
0x58: {  	[sflag:s21] =	ssyncadd.s32 $0xFFFFC000  }
0x59: {  	_ =	swait.ge [sflag:s21], $0x4000  }
0x5a: {  	s25 =	smov.u32 s24;
	[sflag:s21] =	ssyncset.done $0x0  }
0x5b: {  	s24 =	sadd.s32 s23, s12;
	[sflag:s21] =	ssyncadd.s32 $0xFFFFC000  }
0x5c: {  	[tilespmem:s3], [sflag:$0x3] =	stream.linear.gather [hbm4b:s24+s3], $0x80, $0x38;
	[tilespmem:$0x1C200] =	vst v63  }
0x5d: {  	_ =	swait.ge [sflag:s14], $0x80  }
0x5e: {  	[sflag:s14] =	ssyncset.done $0x0  }
0x5f: {  	s29 =	sadd.s32 s23, s11;
	[sflag:s14] =	ssyncadd.s32 $0xFFFFFF80  }
0x60: {  	[tilespmem:s15], [sflag:$0x3] =	stream.linear.gather [hbm4b:s29+s3], $0x80, $0x38;
	[tilespmem:$0x1C200] =	vst v63  }
0x61: {  	_ =	swait.ge [sflag:s14], $0x80  }
0x62: {  	[sflag:s14] =	ssyncset.done $0x0  }
0x63: {  	s30 =	sadd.s32 s23, s10;
	[sflag:s14] =	ssyncadd.s32 $0xFFFFFF80  }
0x64: {  	[tilespmem:s16], [sflag:$0x3] =	stream.linear.gather [hbm4b:s30+s3], $0x80, $0x38;
	[tilespmem:$0x1C200] =	vst v63  }
0x65: {  	_ =	swait.ge [sflag:s14], $0x80  }
0x66: {  	[sflag:s14] =	ssyncset.done $0x0  }
0x67: {  	s31 =	sadd.s32 s23, s9;
	[sflag:s14] =	ssyncadd.s32 $0xFFFFFF80  }
0x68: {  	[tilespmem:s17], [sflag:$0x3] =	stream.linear.gather [hbm4b:s31+s3], $0x80, $0x38;
	[tilespmem:$0x1C200] =	vst v63  }
0x69: {  	_ =	swait.ge [sflag:s14], $0x80  }
0x6a: {  	[sflag:s14] =	ssyncset.done $0x0  }
0x6b: {  	[sflag:s14] =	ssyncadd.s32 $0xFFFFFF80  }
0x6c: {  	[tilespmem:s18], [sflag:$0x1] =	stream.indirect.gather [hbm4b:s4+s16], $0x80, s3, s16, $0xb8;
	[tilespmem:$0x1C200] =	vst v63  }
0x6d: {  	_ = 	snop  }
0x6e: {  	[tilespmem:s19], [sflag:$0x1] =	stream.indirect.gather [hbm4b:s4+s16], $0x80, s16, s16, $0xb8;
	[tilespmem:$0x1C200] =	vst v63  }
0x6f: {  	_ =	swait.ge [sflag:s20], $0x4000  }
0x70: {  	[sflag:s20] =	ssyncset.done $0x0  }
0x71: {  	[sflag:s20] =	ssyncadd.s32 $0xFFFFC000  }
0x72: {  	[spmem:s2] =	stream.indirect.scatter.add.f32 [tilespmem:s18], [sflag:$0x2], $0x80, s15, s16, $0xb8;
	[tilespmem:$0x1C200] =	vst v63  }
0x73: {  	_ =	swait.ge [sflag:s20], $0x4000  }
0x74: {  	[sflag:s20] =	ssyncset.done $0x0  }
0x75: {  	[sflag:s20] =	ssyncadd.s32 $0xFFFFC000  }
0x76: {  	[spmem:s2] =	stream.indirect.scatter.add.f32 [tilespmem:s19], [sflag:$0x2], $0x80, s17, s16, $0xb8;
	[tilespmem:$0x1C200] =	vst v63  }
0x77: {  	_ =	swait.ge [sflag:s21], $0x4000  }
0x78: {  	[sflag:s21] =	ssyncset.done $0x0  }
0x79: {  	[sflag:s21] =	ssyncadd.s32 $0xFFFFC000  }
0x7a: {  	_ =	swait.ge [sflag:s21], $0x4000  }
0x7b: {  	s22 =	sadd.s32 $0x1, s22;
	[sflag:s21] =	ssyncset.done $0x0  }
0x7c: {  	p0 =	sne.s32 s22, s8;
	[sflag:s21] =	ssyncadd.s32 $0xFFFFC000  }
.Ltmp1:
0x7d: {  	[bflag:$0x0] =	sbarrier.arrive $0xFFFF;
	(pc) =	sbr.rel @p0 .LBB2_1-.Ltmp1, $4  }
0x7e: {  	[hbm:s7], [sflag:s6] =	dma.local [spmem:s13], $0x2800  }
0x7f: {  	_ =	swait.ge [sflag:s14], $0x2800  }
0x80: {  	[sflag:s14] =	ssyncset.done $0x0  }
0x81: {  	[sflag:s14] =	ssyncadd.s32 $0xFFFFD800  }
0x82: {  	_ =	sfence.sel $0x180000  }
0x83: {  	[bflag:$0x0] =	sbarrier.arrive $0xFFFF  }
0x84: {  	p0 =	sne.s32 s1, $0x0;
	_ =	strace $0x9000004D  }
0x85: {  	s0 =	sadd.s32 @!p0 $0x100000, s0;
	[bflag:$0x2] =	sbarrier.arrive $0xFFFF  }
0x86: {  	[sflag:s0] =	ssyncadd.tile.s32 @!p0 $0x1;
	_ =	shalt  }
.Lfunc_end2:
_tile_overlayer_lowered:
.L_overlay_start_2:
0x87: {  	(tag) =	ssettag $0x2  }
0x88: {  	s0 =	rddreg [dreg:$0x0];
	s2 =	stileid.u32  }
0x89: {  	s1 =	rddreg [dreg:$0x1];
	p0 =	sne.s32 s2, $0x0  }
0x8a: {  	s3 =	rddreg [dreg:$0x2];
	[bflag:$0x3] =	sbarrier.arrive $0xFFFF;
	s2 =	simm.s32 @!p0 $0x1C03  }
0x8b: {  	[timem:s3], [sflag:s2] =	dma.local @!p0 [hbm:s0], s1  }
0x8c: {  	s0 =	simm.s32 @!p0 $0x3  }
0x8d: {  	_ =	swait.ge @!p0 [sflag:s0], s1  }
0x8e: {  	s1 =	ssub.s32 @!p0 $0x0, s1;
	[sflag:s0] =	ssyncset.done @!p0 $0x0  }
0x8f: {  	[sflag:s0] =	ssyncadd.s32 @!p0 s1  }
0x90: {  	[bflag:$0x3] =	sbarrier.arrive $0xFFFF  }
0x91: {  	_ =	shalt  }

// kernel: kernel.19.cloned.1.call-start
scs
__scs_entry_jumppad:
0x0: {  	(pc) =	sbr.rel $0x88, $3  }
0x1: {  	(tag) =	ssettag $0x0;
	lr =	simm.s32 $0x1  }
0x2: {  	[smem:$0x3F95] =	sst lr;
	_ =	strace $0xD0000000  }
0x3: {  	_ = 	snop  }
0x4: {  	_ = 	snop  }
0x5: {  	_ = 	snop  }
0x6: {  	_ = 	snop  }
0x7: {  	_ = 	snop  }
__scs_overlays_trampoline_lowered:
0x8: {  	[smem:$0x3FA4] =	sst s0  }
0x9: {  	[smem:$0x3FA5] =	sst s1  }
0xa: {  	[smem:$0x3FA6] =	sst s2  }
0xb: {  	[smem:$0x3FA7] =	sst s3  }
0xc: {  	[smem:$0x3FA8] =	sst s4  }
0xd: {  	[smem:$0x3FA9] =	sst s5  }
0xe: {  	[smem:$0x3FAA] =	sst s6  }
0xf: {  	[smem:$0x3FAB] =	sst s7  }
0x10: {  	[smem:$0x3FAC] =	sst s8  }
0x11: {  	[smem:$0x3FAD] =	sst s9;
	s0 =	simm.s32 @!p0 $0x0  }
0x12: {  	s1 =	sld [smem:$0x3F93];
	s0 =	simm.s32 @p0 $0x1  }
0x13: {  	[smem:$0x3FAE] =	sst s0;
	s0 =	simm.s32 @!p1 $0x0  }
0x14: {  	s2 =	sld [smem:$0x3F92];
	s0 =	simm.s32 @p1 $0x1  }
0x15: {  	[smem:$0x3FAF] =	sst s0;
	s0 =	simm.s32 @!p2 $0x0  }
0x16: {  	s3 =	sld [smem:$0x3FDB];
	s0 =	simm.s32 @p2 $0x1  }
0x17: {  	s4 =	simm.s32 $0x1BF5;
	[smem:$0x3FB1] =	sst s0  }
0x18: {  	s0 =	sld [smem:$0x3F94];
	_ =	swait.ge [sflag:s4], $0x0  }
0x19: {  	s7 =	sld [smem:$0x3F95]  }
0x1a: {  	s8 =	sadd.s32 $0xFFFFE003, lr  }
0x1b: {  	s9 =	sadd.s32 $0xFFFFFEF7, lr;
	s5 =	simm.s32 $0xFFFFFFFF;
	p2 =	slt.u32 s8, $0xFFFFF086  }
0x1c: {  	p1 =	slt.u32 s9, $0xF7A;
	s5 =	simm.s32 @!p2 $0x0  }
0x1d: {  	s5 =	simm.s32 @p1 $0x1;
	p0 =	seq.s32 s7, s2  }
0x1e: {  	s7 =	smul.u32 @!p0 $0xF7A, s2;
	p2 =	seq.s32 @!p0 s5, $0x0  }
0x1f: {  	s9 =	smul.u32 $0xF7A, s1;
	s8 =	simm.s32 @!p0 $0x1BF5;
	p2 =	por !p2, p0  }
0x20: {  	[sflag:s8] =	ssyncset.s32 @!p0 $0xFFFFF086;
	s6 =	sadd.s32 @!p0 s3, s7;
	s7 =	simm.s32 @!p0 $0x108  }
0x21: {  	s3 =	sadd.s32 s3, s9;
	s6 =	sadd.s32 @!p0 $0x88, s6;
	s7 =	simm.s32 @p2 $0x1082  }
0x22: {  	[simem:s7], [sflag:s8] =	dma.local @!p0 [hbm:s6], $0xF7A  }
0x23: {  	s9 =	sor.u32 $0xD0000000, s2;
	s6 =	simm.s32 $0x108;
	_ =	swait.ge @!p0 [sflag:s8], $0x0  }
0x24: {  	s3 =	sadd.s32 $0x88, s3;
	s6 =	simm.s32 @!p1 $0x1082;
	[sflag:s4] =	ssyncset.s32 $0xFFFFF086  }
0x25: {  	[simem:s6], [sflag:s4] =	dma.local [hbm:s3], $0xF7A  }
0x26: {  	[smem:$0x3F95] =	sst s1;
	(tag) =	ssettag s2;
	_ =	strace s9  }
0x27: {  	s1 =	sld [smem:$0x3FA5]  }
0x28: {  	s2 =	sld [smem:$0x3FA6]  }
0x29: {  	s4 =	sld [smem:$0x3FA8]  }
0x2a: {  	p0 =	seq.s32 s5, $0x0;
	s5 =	sld [smem:$0x3FA9]  }
0x2b: {  	s6 =	sld [smem:$0x3FAA]  }
0x2c: {  	s7 =	sld [smem:$0x3FAB]  }
0x2d: {  	s3 =	simm.s32 $0x108;
	s8 =	sld [smem:$0x3FAC]  }
0x2e: {  	s3 =	simm.s32 @!p0 $0x1082;
	s9 =	sld [smem:$0x3FAD]  }
0x2f: {  	lr =	sadd.s32 s0, s3;
	s0 =	sld [smem:$0x3FA4]  }
0x30: {  	s3 =	sld [smem:$0x3FA7]  }
0x31: {  	[smem:$0x3FB0] =	sst s10  }
0x32: {  	s10 =	sld [smem:$0x3FAE];
	_ =	sdelay $0x3  }
0x33: {  	p0 =	seq.s32 s10, $0x1;
	s10 =	sld [smem:$0x3FB0];
	_ =	sdelay $0x3  }
0x34: {  	[smem:$0x3FB0] =	sst s10  }
0x35: {  	s10 =	sld [smem:$0x3FAF];
	_ =	sdelay $0x3  }
0x36: {  	p1 =	seq.s32 s10, $0x1;
	s10 =	sld [smem:$0x3FB0];
	_ =	sdelay $0x3  }
0x37: {  	[smem:$0x3FB0] =	sst s10  }
0x38: {  	s10 =	sld [smem:$0x3FB1]  }
0x39: {  	_ = 	snop;
	(pc) =	sbr.ind lr, $3  }
0x3a: {  	_ = 	snop  }
0x3b: {  	_ = 	snop  }
0x3c: {  	p2 =	seq.s32 s10, $0x1;
	s10 =	sld [smem:$0x3FB0]  }
0x3d: {  	_ =	shalt  }
0x3e: {  	_ =	shalt  }
0x3f: {  	_ =	shalt  }
0x40: {  	_ =	shalt  }
0x41: {  	_ =	shalt  }
0x42: {  	_ =	shalt  }
0x43: {  	_ =	shalt  }
0x44: {  	_ =	shalt  }
0x45: {  	_ =	shalt  }
0x46: {  	_ =	shalt  }
0x47: {  	_ =	shalt  }
0x48: {  	_ =	shalt  }
0x49: {  	_ =	shalt  }
0x4a: {  	_ =	shalt  }
0x4b: {  	_ =	shalt  }
0x4c: {  	_ =	shalt  }
0x4d: {  	_ =	shalt  }
0x4e: {  	_ =	shalt  }
0x4f: {  	_ =	shalt  }
0x50: {  	_ =	shalt  }
0x51: {  	_ =	shalt  }
0x52: {  	_ =	shalt  }
0x53: {  	_ =	shalt  }
0x54: {  	_ =	shalt  }
0x55: {  	_ =	shalt  }
0x56: {  	_ =	shalt  }
0x57: {  	_ =	shalt  }
0x58: {  	_ =	shalt  }
0x59: {  	_ =	shalt  }
0x5a: {  	_ =	shalt  }
0x5b: {  	_ =	shalt  }
0x5c: {  	_ =	shalt  }
0x5d: {  	_ =	shalt  }
0x5e: {  	_ =	shalt  }
0x5f: {  	_ =	shalt  }
0x60: {  	_ =	shalt  }
0x61: {  	_ =	shalt  }
0x62: {  	_ =	shalt  }
0x63: {  	_ =	shalt  }
0x64: {  	_ =	shalt  }
0x65: {  	_ =	shalt  }
0x66: {  	_ =	shalt  }
0x67: {  	_ =	shalt  }
0x68: {  	_ =	shalt  }
0x69: {  	_ =	shalt  }
0x6a: {  	_ =	shalt  }
0x6b: {  	_ =	shalt  }
0x6c: {  	_ =	shalt  }
0x6d: {  	_ =	shalt  }
0x6e: {  	_ =	shalt  }
0x6f: {  	_ =	shalt  }
0x70: {  	_ =	shalt  }
0x71: {  	_ =	shalt  }
0x72: {  	_ =	shalt  }
0x73: {  	_ =	shalt  }
0x74: {  	_ =	shalt  }
0x75: {  	_ =	shalt  }
0x76: {  	_ =	shalt  }
0x77: {  	_ =	shalt  }
0x78: {  	_ =	shalt  }
0x79: {  	_ =	shalt  }
0x7a: {  	_ =	shalt  }
0x7b: {  	_ =	shalt  }
0x7c: {  	_ =	shalt  }
0x7d: {  	_ =	shalt  }
0x7e: {  	_ =	shalt  }
0x7f: {  	_ =	shalt  }
0x80: {  	_ =	shalt  }
0x81: {  	_ =	shalt  }
0x82: {  	_ =	shalt  }
0x83: {  	_ =	shalt  }
0x84: {  	_ =	shalt  }
0x85: {  	_ =	shalt  }
0x86: {  	_ =	shalt  }
0x87: {  	_ =	shalt  }
.Lfunc_end0:
.L_simem_size_0:
called_computation.3_lowered:
.L_overlay_start_0:
0x88: {  	s2 =	sld [smem:$0x3FD9]  }
0x89: {  	s3 =	sld [smem:$0x3FFE];
	_ =	sdelay $0x1  }
0x8a: {  	s1 =	srdreg.scid  }
0x8b: {  	s0 =	sand.u32 $0x1, s1  }
0x8c: {  	s17 =	sshll.u32 s0, $0xA;
	s2 =	sadd.s32 s3, s2  }
0x8d: {  	s2 =	sadd.s32 s2, s17  }
0x8e: {  	[smem:$0x3FBC] =	sst s2  }
0x8f: {  	_ = 	snop  }
0x90: {  	s2 =	sld [smem:$0x3FD0];
	(tm) =	ssettm $0x1  }
0x91: {  	s18 =	sld [smem:$0x3FFB];
	_ =	sdelay $0x3  }
0x92: {  	_ =	strace s18  }
0x93: {  	s3 =	sld [smem:$0x3FFC];
	_ =	sdelay $0x3  }
0x94: {  	_ =	strace s3  }
0x95: {  	s3 =	sld [smem:$0x3FFD];
	_ =	sdelay $0x3  }
0x96: {  	_ =	strace s3  }
0x97: {  	_ =	strace $0x8FFFFFFF  }
0x98: {  	s19 =	sld [smem:$0x3FDB];
	_ =	sdelay $0x1  }
0x99: {  	s4 =	simm.s32 $_scs_section_size  }
0x9a: {  	s5 =	simm.s32 $_size__tile_overlayer_lowered;
	s6 =	simm.s32 $_tile_overlayer_lowered  }
0x9b: {  	s22 =	simm.s32 $0x1BFF;
	s21 =	sshll.u32 s6, $0x1;
	s3 =	sadd.s32 s4, s19  }
0x9c: {  	s7 =	simm.s32 $0x0;
	s20 =	sshll.u32 s5, $0x1;
	s5 =	sadd.s32 s21, s3  }
0x9d: {  	[timem:s7], [sflag:s22] =	dma.local [hbm:s5], s20  }
0x9e: {  	_ =	swait.ge [sflag:s22], s20  }
0x9f: {  	s4 =	ssub.s32 $0x0, s20;
	[sflag:s22] =	ssyncset.done $0x0  }
0xa0: {  	[sflag:s22] =	ssyncadd.s32 s4;
	_ =	sdelay $0x1  }
0xa1: {  	s23 =	simm.s32 $0x1B8B  }
0xa2: {  	_ =	swait.ge [sflag:s23], $0x1  }
0xa3: {  	[sflag:s23] =	ssyncset.done $0x0  }
0xa4: {  	s25 =	simm.s32 $0x1B8E;
	s24 =	sld [smem:$0x3FFE];
	[sflag:s23] =	ssyncadd.s32 $0xFFFFFFFF  }
0xa5: {  	s26 =	simm.s32 $execute0_lowered;
	[smem:$0x3FD2] =	sst s25  }
0xa6: {  	s5 =	sshll.u32 s26, $0x1;
	_ =	strace $0x8000004F;
	[dreg:$0x1] =	wrdreg $0xFFFFFFFF  }
0xa7: {  	s28 =	simm.s32 $_size_execute0_lowered;
	s3 =	sadd.s32 s3, s5;
	[dreg:$0x0] =	wrdreg $0x0  }
0xa8: {  	s5 =	sshll.u32 s28, $0x1;
	[dreg:$0x2] =	wrdreg s3  }
0xa9: {  	[dreg:$0x3] =	wrdreg s5  }
0xaa: {  	[dreg:$0x4] =	wrdreg $0xC0  }
0xab: {  	_ =	task [dreg:s7], $0x5FFFF  }
0xac: {  	[dreg:$0x1] =	wrdreg $0xFFFFFFFF  }
0xad: {  	[dreg:$0x0] =	wrdreg $0x60  }
0xae: {  	[dreg:$0x2] =	wrdreg s24  }
0xaf: {  	[dreg:$0x3] =	wrdreg s2  }
0xb0: {  	[dreg:$0x4] =	wrdreg $0x82000  }
0xb1: {  	[dreg:$0x5] =	wrdreg $0x9  }
0xb2: {  	_ =	task.clear_ibuf [dreg:s7], $0x6FFFF;
	_ =	strace $0x9000004F  }
0xb3: {  	s29 =	simm.s32 $0x9;
	_ =	strace $0x80000051  }
0xb4: {  	_ =	swait.ge [sflag:s29], $0x1  }
0xb5: {  	[sflag:s29] =	ssyncadd.s32 $0xFFFFFFFF  }
0xb6: {  	_ =	strace $0x90000051  }
0xb7: {  	_ =	sfence  }
0xb8: {  	s30 =	sld [smem:$0x0];
	_ =	sdelay $0x2  }
0xb9: {  	s31 =	sshll.u32 s1, $0xD;
	s1 =	sshrl.u32 s1, $0x2  }
0xba: {  	s3 =	sand.u32 $0x4000, s31;
	s1 =	sadd.s32 s1, s30  }
0xbb: {  	s0 =	sor.u32 s3, s0;
	s1 =	sshll.u32 s1, $0x11  }
0xbc: {  	s0 =	sor.u32 s1, s0  }
0xbd: {  	s0 =	sadd.s32 $0x8F2B, s0  }
0xbe: {  	[sflag:s0] =	ssyncadd.remote.s32 $0x1  }
0xbf: {  	_ =	sfence.sel $0xFFFF  }
0xc0: {  	[dreg:$0x0] =	wrdreg $0xFFFFFFFF;
	(pc) =	sbr.abs _section_cstart, $3  }
0xc1: {  	[dreg:$0x1] =	wrdreg $0xFFFFFFFF  }
0xc2: {  	_ =	task.clear_ibuf [dreg:s7], $0x2FFFF;
	_ =	strace $0x9FFFFFFF  }
0xc3: {  	(tm) =	ssettm $0x7FFFFFFF  }
tec
execute0_lowered:
.L_overlay_start_1:
0x0: {  	(tag) =	ssettag $0x1  }
0x1: {  	s5 =	rddreg [dreg:$0x0]  }
0x2: {  	s12 =	rddreg [dreg:$0x1]  }
0x3: {  	s2 =	rddreg [dreg:$0x2]  }
0x4: {  	s0 =	rddreg [dreg:$0x3];
	s3 =	simm.s32 $0x0  }
0x5: {  	s1 =	stileid.u32;
	s4 =	srdreg.scid;
	s16 =	simm.s32 $0x80  }
0x6: {  	s17 =	simm.s32 $0x180;
	s18 =	simm.s32 $0x200;
	s19 =	simm.s32 $0x4200  }
0x7: {  	s20 =	simm.s32 $0x1;
	s21 =	simm.s32 $0x2;
	s6 =	smul.u32 $0x14000, s1  }
0x8: {  	s22 =	simm.s32 $0x0;
	[smem:$0x7FF] =	sst s3;
	s10 =	smul.u32 $0x50000, s1  }
0x9: {  	s7 =	sand.u32 $0x1, s4;
	s4 =	sadd.s32 $0x18600, s5;
	s14 =	smul.u32 $0x2800, s1  }
0xa: {  	s11 =	sadd.s32 $0xE600, s5;
	s30 =	sshll.u32 s1, $0x6;
	s9 =	smul.u32 $0x140000, s7  }
0xb: {  	_ =	strace $0x80000050;
	s26 =	ssub.s32 $0x2, s7;
	s7 =	smul.u32 $0x28000, s7  }
0xc: {  	s8 =	sshrl.u32 s6, $0x3;
	s13 =	sshrl.u32 s26, $0x1;
	s28 =	sshrl.u32 s10, $0x2  }
0xd: {  	s8 =	sadd.s32 s8, s5;
	s6 =	sadd.s32 s6, s9;
	s9 =	ssub.s32 s26, s13  }
0xe: {  	s29 =	sadd.s32 s28, s2;
	s14 =	sadd.s32 s14, s7;
	s6 =	sshrl.u32 s6, $0x3  }
0xf: {  	s31 =	sor.u32 $0x80, s14;
	s14 =	sshrl.u32 s14, $0x3;
	s13 =	sshrl.u32 s29, $0x3  }
0x10: {  	s15 =	sadd.s32 s6, s5;
	s5 =	sadd.s32 $0x3F800, s8;
	s6 =	sor.u32 $0x1C03, s30  }
0x11: {  	s8 =	smax.u32 s9, $0x1;
	s10 =	sshrl.u32 s31, $0x3;
	s7 =	sadd.s32 $0x67800, s15  }
0x12: {  	s9 =	sadd.s32 s10, s11;
	s10 =	sadd.s32 s10, s12;
	s11 =	sadd.s32 s14, s11  }
0x13: {  	s12 =	sadd.s32 s14, s12;
	s14 =	simm.s32 $0x3;
	s15 =	simm.s32 $0x100  }
.LBB2_1:
0x14: {  	[spmem:s13], [sflag:s6] =	dma.local [hbm:s5], $0x2800  }
0x15: {  	_ =	swait.ge [sflag:s14], $0x2800  }
0x16: {  	[sflag:s14] =	ssyncset.done $0x0  }
0x17: {  	[sflag:s14] =	ssyncadd.s32 $0xFFFFD800  }
0x18: {  	s23 =	sadd.s32 $0x0, s12;
	[bflag:$0x0] =	sbarrier.arrive $0xFFFF  }
0x19: {  	[tilespmem:s3], [sflag:$0x3] =	stream.linear.gather [hbm4b:s23+s3], $0x80, $0x38;
	[tilespmem:$0x1C200] =	vst v63  }
0x1a: {  	_ =	swait.ge [sflag:s14], $0x80  }
0x1b: {  	[sflag:s14] =	ssyncset.done $0x0  }
0x1c: {  	s29 =	sadd.s32 $0x0, s11;
	[sflag:s14] =	ssyncadd.s32 $0xFFFFFF80  }
0x1d: {  	[tilespmem:s15], [sflag:$0x3] =	stream.linear.gather [hbm4b:s29+s3], $0x80, $0x38;
	[tilespmem:$0x1C200] =	vst v63  }
0x1e: {  	_ =	swait.ge [sflag:s14], $0x80  }
0x1f: {  	[sflag:s14] =	ssyncset.done $0x0  }
0x20: {  	s30 =	sadd.s32 $0x0, s10;
	[sflag:s14] =	ssyncadd.s32 $0xFFFFFF80  }
0x21: {  	[tilespmem:s16], [sflag:$0x3] =	stream.linear.gather [hbm4b:s30+s3], $0x80, $0x38;
	[tilespmem:$0x1C200] =	vst v63  }
0x22: {  	_ =	swait.ge [sflag:s14], $0x80  }
0x23: {  	[sflag:s14] =	ssyncset.done $0x0  }
0x24: {  	s31 =	sadd.s32 $0x0, s9;
	[sflag:s14] =	ssyncadd.s32 $0xFFFFFF80  }
0x25: {  	[tilespmem:s17], [sflag:$0x3] =	stream.linear.gather [hbm4b:s31+s3], $0x80, $0x38;
	[tilespmem:$0x1C200] =	vst v63  }
0x26: {  	_ =	swait.ge [sflag:s14], $0x80  }
0x27: {  	[sflag:s14] =	ssyncset.done $0x0  }
0x28: {  	[sflag:s14] =	ssyncadd.s32 $0xFFFFFF80  }
0x29: {  	[tilespmem:s18], [sflag:$0x1] =	stream.indirect.gather [hbm4b:s4+s16], $0x80, s3, s16, $0xb8;
	[tilespmem:$0x1C200] =	vst v63  }
0x2a: {  	_ = 	snop  }
0x2b: {  	[tilespmem:s19], [sflag:$0x1] =	stream.indirect.gather [hbm4b:s4+s16], $0x80, s16, s16, $0xb8;
	[tilespmem:$0x1C200] =	vst v63  }
0x2c: {  	_ =	swait.ge [sflag:s20], $0x4000  }
0x2d: {  	[sflag:s20] =	ssyncset.done $0x0  }
0x2e: {  	[sflag:s20] =	ssyncadd.s32 $0xFFFFC000  }
0x2f: {  	[spmem:s2] =	stream.indirect.scatter.add.f32 [tilespmem:s18], [sflag:$0x2], $0x80, s15, s16, $0xb8;
	[tilespmem:$0x1C200] =	vst v63  }
0x30: {  	_ =	swait.ge [sflag:s20], $0x4000  }
0x31: {  	[sflag:s20] =	ssyncset.done $0x0  }
0x32: {  	[sflag:s20] =	ssyncadd.s32 $0xFFFFC000  }
0x33: {  	[spmem:s2] =	stream.indirect.scatter.add.f32 [tilespmem:s19], [sflag:$0x2], $0x80, s17, s16, $0xb8;
	[tilespmem:$0x1C200] =	vst v63  }
0x34: {  	_ =	swait.ge [sflag:s21], $0x4000  }
0x35: {  	[sflag:s21] =	ssyncset.done $0x0  }
0x36: {  	[sflag:s21] =	ssyncadd.s32 $0xFFFFC000  }
0x37: {  	_ =	swait.ge [sflag:s21], $0x4000  }
0x38: {  	s25 =	simm.s32 $0x40;
	s23 =	simm.s32 $0x20;
	[sflag:s21] =	ssyncset.done $0x0  }
.LBB2_2:
0x39: {  	s26 =	sadd.s32 s23, s12  }
0x3a: {  	[sflag:s21] =	ssyncadd.s32 $0xFFFFC000;
	s28 =	smov.u32 s25;
	s24 =	sadd.s32 $0x20, s25  }
0x3b: {  	[tilespmem:s3], [sflag:$0x3] =	stream.linear.gather [hbm4b:s26+s3], $0x80, $0x38;
	[tilespmem:$0x1C200] =	vst v63  }
0x3c: {  	p0 =	sne.s32 s25, $0x4E0;
	_ =	swait.ge [sflag:s14], $0x80  }
0x3d: {  	[sflag:s14] =	ssyncset.done $0x0  }
0x3e: {  	s25 =	sadd.s32 s23, s11;
	[sflag:s14] =	ssyncadd.s32 $0xFFFFFF80  }
0x3f: {  	[tilespmem:s15], [sflag:$0x3] =	stream.linear.gather [hbm4b:s25+s3], $0x80, $0x38;
	[tilespmem:$0x1C200] =	vst v63  }
0x40: {  	_ =	swait.ge [sflag:s14], $0x80  }
0x41: {  	[sflag:s14] =	ssyncset.done $0x0  }
0x42: {  	s25 =	sadd.s32 s23, s10;
	[sflag:s14] =	ssyncadd.s32 $0xFFFFFF80  }
0x43: {  	[tilespmem:s16], [sflag:$0x3] =	stream.linear.gather [hbm4b:s25+s3], $0x80, $0x38;
	[tilespmem:$0x1C200] =	vst v63  }
0x44: {  	_ =	swait.ge [sflag:s14], $0x80  }
0x45: {  	[sflag:s14] =	ssyncset.done $0x0  }
0x46: {  	s25 =	sadd.s32 s23, s9;
	s23 =	smov.u32 s28;
	[sflag:s14] =	ssyncadd.s32 $0xFFFFFF80  }
0x47: {  	[tilespmem:s17], [sflag:$0x3] =	stream.linear.gather [hbm4b:s25+s3], $0x80, $0x38;
	[tilespmem:$0x1C200] =	vst v63  }
0x48: {  	_ =	swait.ge [sflag:s14], $0x80  }
0x49: {  	[sflag:s14] =	ssyncset.done $0x0  }
0x4a: {  	[sflag:s14] =	ssyncadd.s32 $0xFFFFFF80  }
0x4b: {  	[tilespmem:s18], [sflag:$0x1] =	stream.indirect.gather [hbm4b:s4+s16], $0x80, s3, s16, $0xb8;
	[tilespmem:$0x1C200] =	vst v63  }
0x4c: {  	_ = 	snop  }
0x4d: {  	[tilespmem:s19], [sflag:$0x1] =	stream.indirect.gather [hbm4b:s4+s16], $0x80, s16, s16, $0xb8;
	[tilespmem:$0x1C200] =	vst v63  }
0x4e: {  	_ =	swait.ge [sflag:s20], $0x4000  }
0x4f: {  	[sflag:s20] =	ssyncset.done $0x0  }
0x50: {  	[sflag:s20] =	ssyncadd.s32 $0xFFFFC000  }
0x51: {  	[spmem:s2] =	stream.indirect.scatter.add.f32 [tilespmem:s18], [sflag:$0x2], $0x80, s15, s16, $0xb8;
	[tilespmem:$0x1C200] =	vst v63  }
0x52: {  	_ =	swait.ge [sflag:s20], $0x4000  }
0x53: {  	[sflag:s20] =	ssyncset.done $0x0  }
0x54: {  	[sflag:s20] =	ssyncadd.s32 $0xFFFFC000  }
0x55: {  	[spmem:s2] =	stream.indirect.scatter.add.f32 [tilespmem:s19], [sflag:$0x2], $0x80, s17, s16, $0xb8;
	[tilespmem:$0x1C200] =	vst v63  }
.Ltmp0:
0x56: {  	_ =	swait.ge [sflag:s21], $0x4000;
	(pc) =	sbr.rel @p0 .LBB2_2-.Ltmp0, $4  }
0x57: {  	[sflag:s21] =	ssyncset.done $0x0  }
0x58: {  	[sflag:s21] =	ssyncadd.s32 $0xFFFFC000  }
0x59: {  	_ =	swait.ge [sflag:s21], $0x4000  }
0x5a: {  	s25 =	smov.u32 s24;
	[sflag:s21] =	ssyncset.done $0x0  }
0x5b: {  	s24 =	sadd.s32 s23, s12;
	[sflag:s21] =	ssyncadd.s32 $0xFFFFC000  }
0x5c: {  	[tilespmem:s3], [sflag:$0x3] =	stream.linear.gather [hbm4b:s24+s3], $0x80, $0x38;
	[tilespmem:$0x1C200] =	vst v63  }
0x5d: {  	_ =	swait.ge [sflag:s14], $0x80  }
0x5e: {  	[sflag:s14] =	ssyncset.done $0x0  }
0x5f: {  	s29 =	sadd.s32 s23, s11;
	[sflag:s14] =	ssyncadd.s32 $0xFFFFFF80  }
0x60: {  	[tilespmem:s15], [sflag:$0x3] =	stream.linear.gather [hbm4b:s29+s3], $0x80, $0x38;
	[tilespmem:$0x1C200] =	vst v63  }
0x61: {  	_ =	swait.ge [sflag:s14], $0x80  }
0x62: {  	[sflag:s14] =	ssyncset.done $0x0  }
0x63: {  	s30 =	sadd.s32 s23, s10;
	[sflag:s14] =	ssyncadd.s32 $0xFFFFFF80  }
0x64: {  	[tilespmem:s16], [sflag:$0x3] =	stream.linear.gather [hbm4b:s30+s3], $0x80, $0x38;
	[tilespmem:$0x1C200] =	vst v63  }
0x65: {  	_ =	swait.ge [sflag:s14], $0x80  }
0x66: {  	[sflag:s14] =	ssyncset.done $0x0  }
0x67: {  	s31 =	sadd.s32 s23, s9;
	[sflag:s14] =	ssyncadd.s32 $0xFFFFFF80  }
0x68: {  	[tilespmem:s17], [sflag:$0x3] =	stream.linear.gather [hbm4b:s31+s3], $0x80, $0x38;
	[tilespmem:$0x1C200] =	vst v63  }
0x69: {  	_ =	swait.ge [sflag:s14], $0x80  }
0x6a: {  	[sflag:s14] =	ssyncset.done $0x0  }
0x6b: {  	[sflag:s14] =	ssyncadd.s32 $0xFFFFFF80  }
0x6c: {  	[tilespmem:s18], [sflag:$0x1] =	stream.indirect.gather [hbm4b:s4+s16], $0x80, s3, s16, $0xb8;
	[tilespmem:$0x1C200] =	vst v63  }
0x6d: {  	_ = 	snop  }
0x6e: {  	[tilespmem:s19], [sflag:$0x1] =	stream.indirect.gather [hbm4b:s4+s16], $0x80, s16, s16, $0xb8;
	[tilespmem:$0x1C200] =	vst v63  }
0x6f: {  	_ =	swait.ge [sflag:s20], $0x4000  }
0x70: {  	[sflag:s20] =	ssyncset.done $0x0  }
0x71: {  	[sflag:s20] =	ssyncadd.s32 $0xFFFFC000  }
0x72: {  	[spmem:s2] =	stream.indirect.scatter.add.f32 [tilespmem:s18], [sflag:$0x2], $0x80, s15, s16, $0xb8;
	[tilespmem:$0x1C200] =	vst v63  }
0x73: {  	_ =	swait.ge [sflag:s20], $0x4000  }
0x74: {  	[sflag:s20] =	ssyncset.done $0x0  }
0x75: {  	[sflag:s20] =	ssyncadd.s32 $0xFFFFC000  }
0x76: {  	[spmem:s2] =	stream.indirect.scatter.add.f32 [tilespmem:s19], [sflag:$0x2], $0x80, s17, s16, $0xb8;
	[tilespmem:$0x1C200] =	vst v63  }
0x77: {  	_ =	swait.ge [sflag:s21], $0x4000  }
0x78: {  	[sflag:s21] =	ssyncset.done $0x0  }
0x79: {  	[sflag:s21] =	ssyncadd.s32 $0xFFFFC000  }
0x7a: {  	_ =	swait.ge [sflag:s21], $0x4000  }
0x7b: {  	s22 =	sadd.s32 $0x1, s22;
	[sflag:s21] =	ssyncset.done $0x0  }
0x7c: {  	p0 =	sne.s32 s22, s8;
	[sflag:s21] =	ssyncadd.s32 $0xFFFFC000  }
.Ltmp1:
0x7d: {  	[bflag:$0x0] =	sbarrier.arrive $0xFFFF;
	(pc) =	sbr.rel @p0 .LBB2_1-.Ltmp1, $4  }
0x7e: {  	[hbm:s7], [sflag:s6] =	dma.local [spmem:s13], $0x2800  }
0x7f: {  	_ =	swait.ge [sflag:s14], $0x2800  }
0x80: {  	[sflag:s14] =	ssyncset.done $0x0  }
0x81: {  	[sflag:s14] =	ssyncadd.s32 $0xFFFFD800  }
0x82: {  	_ =	sfence.sel $0x180000  }
0x83: {  	[bflag:$0x0] =	sbarrier.arrive $0xFFFF  }
0x84: {  	p0 =	sne.s32 s1, $0x0;
	_ =	strace $0x90000050  }
0x85: {  	s0 =	sadd.s32 @!p0 $0x100000, s0;
	[bflag:$0x2] =	sbarrier.arrive $0xFFFF  }
0x86: {  	[sflag:s0] =	ssyncadd.tile.s32 @!p0 $0x1;
	_ =	shalt  }
.Lfunc_end2:
_tile_overlayer_lowered:
.L_overlay_start_2:
0x87: {  	(tag) =	ssettag $0x2  }
0x88: {  	s0 =	rddreg [dreg:$0x0];
	s2 =	stileid.u32  }
0x89: {  	s1 =	rddreg [dreg:$0x1];
	p0 =	sne.s32 s2, $0x0  }
0x8a: {  	s3 =	rddreg [dreg:$0x2];
	[bflag:$0x3] =	sbarrier.arrive $0xFFFF;
	s2 =	simm.s32 @!p0 $0x1C03  }
0x8b: {  	[timem:s3], [sflag:s2] =	dma.local @!p0 [hbm:s0], s1  }
0x8c: {  	s0 =	simm.s32 @!p0 $0x3  }
0x8d: {  	_ =	swait.ge @!p0 [sflag:s0], s1  }
0x8e: {  	s1 =	ssub.s32 @!p0 $0x0, s1;
	[sflag:s0] =	ssyncset.done @!p0 $0x0  }
0x8f: {  	[sflag:s0] =	ssyncadd.s32 @!p0 s1  }
0x90: {  	[bflag:$0x3] =	sbarrier.arrive $0xFFFF  }
0x91: {  	_ =	shalt  }

</sc_bundles>
